<compile_context>
chip_gen: v7x
topology: tpu7x:2x2x1
jax: 0.10.2.dev20260603
libtpu: 0.0.44.dev20260713+nightly
codegen_flags: <defaults>
</compile_context>

<pallas_src>
import functools

import jax
import jax.numpy as jnp
from jax import lax
from jax.experimental import pallas as pl
from jax.experimental.pallas import tpu as pltpu
from jax.experimental.pallas import tpu_sc as plsc

F = 64
CTX = 24
IN_DIM = 3 * F + CTX


@functools.lru_cache(maxsize=None)
def _build_rowdot(K, N, blk, w_lo):
    nblk = -(-N // blk)

    def body(w_ref, m_ref, o_ref):
        prod = jax.lax.dot_general(
            w_ref[:, w_lo:w_lo + K], m_ref[...], (((1,), (0,)), ((), ())),
            preferred_element_type=jnp.float32,
            precision=jax.lax.Precision.DEFAULT)
        o_ref[...] = prod.reshape(o_ref.shape)

    return pl.pallas_call(
        body,
        grid=(nblk,),
        in_specs=[
            pl.BlockSpec((1, IN_DIM), lambda j: (0, 0)),
            pl.BlockSpec((K, blk), lambda j: (0, j)),
        ],
        out_specs=pl.BlockSpec((blk,), lambda j: (j,)),
        out_shape=jax.ShapeDtypeStruct((nblk * blk,), jnp.float32),
    )


@functools.lru_cache(maxsize=None)
def _build_ctx_shift(n_info, B, n_shift):
    def body(w_ref, m_ref, st_ref, o_ref, sd_ref):
        prod = jax.lax.dot_general(
            w_ref[:, :n_info], m_ref[...], (((1,), (0,)), ((), ())),
            preferred_element_type=jnp.float32,
            precision=jax.lax.Precision.DEFAULT)
        o_ref[...] = prod.reshape(o_ref.shape)
        sdot = jax.lax.dot_general(
            w_ref[:, CTX:CTX + F], st_ref[...], (((1,), (0,)), ((), ())),
            preferred_element_type=jnp.float32,
            precision=jax.lax.Precision.DEFAULT)
        sd_ref[...] = jnp.pad(sdot.reshape(n_shift), (0, 128 - n_shift))

    return pl.pallas_call(
        body,
        in_specs=[
            pl.BlockSpec((1, IN_DIM), lambda: (0, 0)),
            pl.BlockSpec((n_info, B), lambda: (0, 0)),
            pl.BlockSpec((F, n_shift), lambda: (0, 0)),
        ],
        out_specs=[
            pl.BlockSpec((B,), lambda: (0,)),
            pl.BlockSpec((128,), lambda: (0,)),
        ],
        out_shape=[
            jax.ShapeDtypeStruct((B,), jnp.float32),
            jax.ShapeDtypeStruct((128,), jnp.float32),
        ],
    )


@functools.lru_cache(maxsize=None)
def _build_fused_dots(NU, NI, B, n_info, n_shift, blk):
    nu = -(-NU // blk)
    ni = -(-NI // blk)
    last = nu + ni

    def body(w_ref, mu_ref, mi_ref, info_ref, st_ref,
             du_ref, di_ref, ctx_ref, sd_ref):
        j = pl.program_id(0)

        def dot(wlo, wk, m):
            return jax.lax.dot_general(
                w_ref[:, wlo:wlo + wk], m, (((1,), (0,)), ((), ())),
                preferred_element_type=jnp.float32,
                precision=jax.lax.Precision.DEFAULT)

        @pl.when(j < nu)
        def _user():
            du_ref[...] = dot(CTX + F, F, mu_ref[...]).reshape(du_ref.shape)

        @pl.when((j >= nu) & (j < last))
        def _item():
            di_ref[...] = dot(CTX + 2 * F, F, mi_ref[...]).reshape(di_ref.shape)

        @pl.when(j == last)
        def _ctx():
            ctx_ref[...] = dot(0, n_info, info_ref[...]).reshape(ctx_ref.shape)
            sd_ref[...] = jnp.pad(
                dot(CTX, F, st_ref[...]).reshape(n_shift), (0, 128 - n_shift))

    return pl.pallas_call(
        body,
        grid=(last + 1,),
        in_specs=[
            pl.BlockSpec((1, IN_DIM), lambda j: (0, 0)),
            pl.BlockSpec((F, blk), lambda j: (0, jnp.minimum(j, nu - 1))),
            pl.BlockSpec((F, blk),
                         lambda j: (0, jnp.clip(j - nu, 0, ni - 1))),
            pl.BlockSpec((n_info, B), lambda j: (0, 0)),
            pl.BlockSpec((F, n_shift), lambda j: (0, 0)),
        ],
        out_specs=[
            pl.BlockSpec((blk,), lambda j: (jnp.minimum(j, nu - 1),)),
            pl.BlockSpec((blk,), lambda j: (jnp.clip(j - nu, 0, ni - 1),)),
            pl.BlockSpec((B,), lambda j: (0,)),
            pl.BlockSpec((128,), lambda j: (0,)),
        ],
        out_shape=[
            jax.ShapeDtypeStruct((nu * blk,), jnp.float32),
            jax.ShapeDtypeStruct((ni * blk,), jnp.float32),
            jax.ShapeDtypeStruct((B,), jnp.float32),
            jax.ShapeDtypeStruct((128,), jnp.float32),
        ],
    )


@functools.lru_cache(maxsize=None)
def _build_sc_combine(B):
    NC, NS = 2, 16
    NW = NC * NS
    CHUNK = B // NW
    NG = CHUNK // 16
    NB = CHUNK // 128

    mesh = plsc.VectorSubcoreMesh(core_axis_name="c", subcore_axis_name="s")

    @functools.partial(
        pl.kernel,
        mesh=mesh,
        out_type=jax.ShapeDtypeStruct((B,), jnp.float32),
        scratch_types=[
            pltpu.VMEM((CHUNK,), jnp.int32),
            pltpu.VMEM((CHUNK,), jnp.int32),
            pltpu.VMEM((CHUNK,), jnp.int32),
            pltpu.VMEM((CHUNK,), jnp.float32),
            pltpu.VMEM((CHUNK,), jnp.float32),
            pltpu.VMEM((16,), jnp.float32),
            pltpu.VMEM((CHUNK,), jnp.float32),
            pltpu.VMEM((CHUNK,), jnp.float32),
            pltpu.VMEM((CHUNK,), jnp.float32),
            pltpu.VMEM((IN_DIM + 8,), jnp.float32),
            pltpu.VMEM((CHUNK,), jnp.float32),
            pltpu.SemaphoreType.DMA,
        ],
        compiler_params=pltpu.CompilerParams(needs_layout_passes=False),
    )
    def sc_combine(uid, iid, sid, du, di, ctxd, sd, visits, buys, wb,
                   out, uid_v, iid_v, sid_v, dug_v, dig_v, sd_v,
                   ctx_v, vis_v, buy_v, w_v, out_v, sem):
        wid = lax.axis_index("s") * NC + lax.axis_index("c")
        base = wid * CHUNK

        pltpu.sync_copy(uid.at[pl.ds(base, CHUNK)], uid_v)
        pltpu.sync_copy(iid.at[pl.ds(base, CHUNK)], iid_v)

        copies = []
        for k in range(NB):
            sl = pl.ds(k * 128, 128)
            copies.append(pltpu.async_copy(
                du.at[uid_v.at[sl]], dug_v.at[sl], sem))
            copies.append(pltpu.async_copy(
                di.at[iid_v.at[sl]], dig_v.at[sl], sem))

        pltpu.sync_copy(sid.at[pl.ds(base, CHUNK)], sid_v)
        pltpu.sync_copy(sd.at[pl.ds(0, 16)], sd_v)
        pltpu.sync_copy(wb, w_v)
        pltpu.sync_copy(ctxd.at[pl.ds(base, CHUNK)], ctx_v)
        pltpu.sync_copy(visits.at[pl.ds(base, CHUNK)], vis_v)
        pltpu.sync_copy(buys.at[pl.ds(base, CHUNK)], buy_v)

        wvecs = [w_v[pl.ds(c * 16, 16)] for c in range((IN_DIM + 8) // 16)]

        def wscal(j):
            return wvecs[j // 16][j % 16]

        bias = wscal(IN_DIM)

        for c in copies:
            c.wait()

        @pl.loop(0, NG)
        def _group(g):
            off = pl.multiple_of(g * 16, 16)
            sval = plsc.load_gather(sd_v, [sid_v[pl.ds(off, 16)]])
            acc = (bias + dug_v[pl.ds(off, 16)] + dig_v[pl.ds(off, 16)]
                   + sval + ctx_v[pl.ds(off, 16)]
                   + vis_v[pl.ds(off, 16)] * wscal(22)
                   + buy_v[pl.ds(off, 16)] * wscal(23))
            out_v[pl.ds(off, 16)] = 1.0 / (1.0 + jnp.exp(-acc))

        pltpu.sync_copy(out_v, out.at[pl.ds(base, CHUNK)])

    return sc_combine


def kernel(user_ids, shift_ids, item_ids, category, info, visits, buys,
           user_table, item_table, shift_table, W, b):
    del category
    B = user_ids.shape[0]
    uid = user_ids.astype(jnp.int32)
    iid = item_ids.astype(jnp.int32)
    sid = shift_ids.astype(jnp.int32)
    n_info = info.shape[1]
    wb = jnp.concatenate([
        W.reshape(-1).astype(jnp.float32),
        b.reshape(-1).astype(jnp.float32),
        jnp.zeros((7,), jnp.float32),
    ])
    du, di, ctxd, sd = _build_fused_dots(
        user_table.shape[0], item_table.shape[0], B, n_info,
        shift_table.shape[0], 32768)(
        W, user_table.T, item_table.T, info.T, shift_table.T)
    fwd = _build_sc_combine(B)
    out = fwd(uid, iid, sid, du, di, ctxd, sd, visits, buys, wb)
    return out.reshape(B, 1)

# --- scband reference (transcript-rebuilt; emitter-appended) ---
"""Pipeline reference for scband-direct-estimator-40535901340361 (READ-ONLY COPY).

The authoritative reference and input builder live on the scoring server;
editing this copy changes nothing except your own understanding.
"""

import jax, jax.numpy as jnp
import numpy as np

B = 16384
F = 64
N_USERS = 1000000
N_ITEMS = 100000
N_SHIFTS = 10
IN_DIM = 3 * F + 24


def setup_inputs(seed: int = 0) -> dict:
    key = jax.random.key(seed)
    ks = jax.random.split(key, 12)
    user_ids = jax.random.randint(ks[0], (B,), 0, N_USERS, dtype=jnp.int64 if jax.config.jax_enable_x64 else jnp.int32)
    shift_ids = jax.random.randint(ks[1], (B,), 0, N_SHIFTS)
    item_ids = jax.random.randint(ks[2], (B,), 0, N_ITEMS)
    category = jax.random.randint(ks[3], (B,), 0, 100)
    info = jax.random.normal(ks[4], (B, 22), dtype=jnp.float32)
    visits = jax.random.uniform(ks[5], (B,), dtype=jnp.float32)
    buys = jax.random.uniform(ks[6], (B,), dtype=jnp.float32)
    # lecun_normal-initialized parameters
    user_table = jax.random.normal(ks[7], (N_USERS, F), dtype=jnp.float32) * (1.0 / np.sqrt(F))
    item_table = jax.random.normal(ks[8], (N_ITEMS, F), dtype=jnp.float32) * (1.0 / np.sqrt(F))
    shift_table = jax.random.normal(ks[9], (N_SHIFTS, F), dtype=jnp.float32) * (1.0 / np.sqrt(F))
    W = jax.random.normal(ks[10], (1, IN_DIM), dtype=jnp.float32) * (1.0 / np.sqrt(IN_DIM))
    b = jnp.full((1,), 0.1, dtype=jnp.float32)
    return {
        "user_ids": user_ids,
        "shift_ids": shift_ids,
        "item_ids": item_ids,
        "category": category,
        "info": info,
        "visits": visits,
        "buys": buys,
        "user_table": user_table,
        "item_table": item_table,
        "shift_table": shift_table,
        "W": W,
        "b": b,
    }


def reference(user_ids, shift_ids, item_ids, category, info, visits, buys,
              user_table, item_table, shift_table, W, b):
    # compute_context_embeddings: concat(info, visits[:,None], buys[:,None]) -> [B, 24]
    context = jnp.concatenate([info, visits[:, None], buys[:, None]], axis=1)
    # embedding lookups (gathers)
    shift_emb = jnp.take(shift_table, shift_ids, axis=0)
    user_emb = jnp.take(user_table, user_ids, axis=0)
    item_emb = jnp.take(item_table, item_ids, axis=0)
    # concat context + shift + user + item -> [B, 3F+24]; category is unused (matches torch forward)
    x = jnp.concatenate([context, shift_emb, user_emb, item_emb], axis=1)
    # dropout_prob=0.0 -> no dropout module
    return jax.nn.sigmoid(x @ W.T + b)

if __name__ == "__main__":
    import jax
    _d = setup_inputs()
    print(jax.jit(kernel)(*tuple(_d.values())))

</pallas_src>

<mosaic_0001>
#map = affine_map<(d0, d1) -> (0)>
module attributes {stable_mosaic.version = 14 : i64} {
  func.func @sc_combine(%arg0: i32, %arg1: i32, %arg2: memref<16384xi32, #tpu.memory_space<hbm>>, %arg3: memref<16384xi32, #tpu.memory_space<hbm>>, %arg4: memref<16384xi32, #tpu.memory_space<hbm>>, %arg5: memref<1015808xf32, #tpu.memory_space<hbm>>, %arg6: memref<131072xf32, #tpu.memory_space<hbm>>, %arg7: memref<16384xf32, #tpu.memory_space<hbm>>, %arg8: memref<128xf32, #tpu.memory_space<hbm>>, %arg9: memref<16384xf32, #tpu.memory_space<hbm>>, %arg10: memref<16384xf32, #tpu.memory_space<hbm>>, %arg11: memref<224xf32, #tpu.memory_space<hbm>>, %arg12: memref<16384xf32, #tpu.memory_space<hbm>>, %arg13: memref<512xi32, #tpu.memory_space<vmem>>, %arg14: memref<512xi32, #tpu.memory_space<vmem>>, %arg15: memref<512xi32, #tpu.memory_space<vmem>>, %arg16: memref<512xf32, #tpu.memory_space<vmem>>, %arg17: memref<512xf32, #tpu.memory_space<vmem>>, %arg18: memref<16xf32, #tpu.memory_space<vmem>>, %arg19: memref<512xf32, #tpu.memory_space<vmem>>, %arg20: memref<512xf32, #tpu.memory_space<vmem>>, %arg21: memref<512xf32, #tpu.memory_space<vmem>>, %arg22: memref<224xf32, #tpu.memory_space<vmem>>, %arg23: memref<512xf32, #tpu.memory_space<vmem>>, %arg24: memref<!tpu.dma_semaphore, #tpu.memory_space<semaphore_mem>>) attributes {dimension_semantics = [#tpu.dimension_semantics<core_parallel>, #tpu.dimension_semantics<subcore_parallel>], iteration_bounds = array<i64: 2, 16>, scalar_prefetch = 0 : i64, scratch_operands = 12 : i64, tpu.core_type = #tpu.core_type<sc_vector_subcore>, window_params = [{transform_indices = #map}, {transform_indices = #map}, {transform_indices = #map}, {transform_indices = #map}, {transform_indices = #map}, {transform_indices = #map}, {transform_indices = #map}, {transform_indices = #map}, {transform_indices = #map}, {transform_indices = #map}, {transform_indices = #map}]} {
    %mul3A = arith.constant 2 : i32
    %mul3A_0 = arith.muli %arg1, %mul3A : i32
    %add3A = arith.addi %mul3A_0, %arg0 : i32
    %mul3A_1 = arith.constant 512 : i32
    %mul3A_2 = arith.muli %add3A, %mul3A_1 : i32
    "tpu.region"() ({
      %run_scoped3A = tpu.sem_alloc : memref<!tpu.dma_semaphore, #tpu.memory_space<semaphore_mem>>
      %dma_start3A_128 = tpu.memref_slice %arg2[%mul3A_2] : memref<16384xi32, #tpu.memory_space<hbm>> -> memref<512xi32, #tpu.memory_space<hbm>>
      %dma_start3A_129 = tpu.memref_slice %arg2[%mul3A_2] : memref<16384xi32, #tpu.memory_space<hbm>> -> memref<512xi32, #tpu.memory_space<hbm>>
      tpu.enqueue_dma source(%dma_start3A_129 : memref<512xi32, #tpu.memory_space<hbm>>) target(%arg13 : memref<512xi32, #tpu.memory_space<vmem>>) target_semaphore(%run_scoped3A : memref<!tpu.dma_semaphore, #tpu.memory_space<semaphore_mem>>)
      %dma_wait3A_130 = tpu.memref_slice %arg2[%mul3A_2] : memref<16384xi32, #tpu.memory_space<hbm>> -> memref<512xi32, #tpu.memory_space<hbm>>
      %dma_wait3A_131 = tpu.memref_slice %arg2[%mul3A_2] : memref<16384xi32, #tpu.memory_space<hbm>> -> memref<512xi32, #tpu.memory_space<hbm>>
      tpu.wait_dma2 semaphore(%run_scoped3A : memref<!tpu.dma_semaphore, #tpu.memory_space<semaphore_mem>>) src(%dma_wait3A_131 : memref<512xi32, #tpu.memory_space<hbm>>) dst(%arg13 : memref<512xi32, #tpu.memory_space<vmem>>)
      tpu.yield
    }) : () -> ()
    "tpu.region"() ({
      %run_scoped3A = tpu.sem_alloc : memref<!tpu.dma_semaphore, #tpu.memory_space<semaphore_mem>>
      %dma_start3A_128 = tpu.memref_slice %arg3[%mul3A_2] : memref<16384xi32, #tpu.memory_space<hbm>> -> memref<512xi32, #tpu.memory_space<hbm>>
      %dma_start3A_129 = tpu.memref_slice %arg3[%mul3A_2] : memref<16384xi32, #tpu.memory_space<hbm>> -> memref<512xi32, #tpu.memory_space<hbm>>
      tpu.enqueue_dma source(%dma_start3A_129 : memref<512xi32, #tpu.memory_space<hbm>>) target(%arg14 : memref<512xi32, #tpu.memory_space<vmem>>) target_semaphore(%run_scoped3A : memref<!tpu.dma_semaphore, #tpu.memory_space<semaphore_mem>>)
      %dma_wait3A_130 = tpu.memref_slice %arg3[%mul3A_2] : memref<16384xi32, #tpu.memory_space<hbm>> -> memref<512xi32, #tpu.memory_space<hbm>>
      %dma_wait3A_131 = tpu.memref_slice %arg3[%mul3A_2] : memref<16384xi32, #tpu.memory_space<hbm>> -> memref<512xi32, #tpu.memory_space<hbm>>
      tpu.wait_dma2 semaphore(%run_scoped3A : memref<!tpu.dma_semaphore, #tpu.memory_space<semaphore_mem>>) src(%dma_wait3A_131 : memref<512xi32, #tpu.memory_space<hbm>>) dst(%arg14 : memref<512xi32, #tpu.memory_space<vmem>>)
      tpu.yield
    }) : () -> ()
    %dma_start3A = arith.constant 0 : i32
    %dma_start3A_3 = tpu.memref_slice %arg16[%dma_start3A] : memref<512xf32, #tpu.memory_space<vmem>> -> memref<128xf32, #tpu.memory_space<vmem>>
    %dma_start3A_4 = arith.constant 0 : i32
    %dma_start3A_5 = tpu.memref_slice %arg13[%dma_start3A_4] : memref<512xi32, #tpu.memory_space<vmem>> -> memref<128xi32, #tpu.memory_space<vmem>>
    %dma_start3A_6 = arith.constant 0 : i32
    %dma_start3A_7 = tpu.memref_slice %arg5[%dma_start3A_6] : memref<1015808xf32, #tpu.memory_space<hbm>> -> memref<1015808xf32, #tpu.memory_space<hbm>>
    tpu.enqueue_indirect_dma source(%dma_start3A_7 : memref<1015808xf32, #tpu.memory_space<hbm>>) target(%dma_start3A_3 : memref<128xf32, #tpu.memory_space<vmem>>) offsets(%dma_start3A_5 : memref<128xi32, #tpu.memory_space<vmem>>) semaphore(%arg24 : memref<!tpu.dma_semaphore, #tpu.memory_space<semaphore_mem>>)
    %dma_start3A_8 = arith.constant 0 : i32
    %dma_start3A_9 = tpu.memref_slice %arg17[%dma_start3A_8] : memref<512xf32, #tpu.memory_space<vmem>> -> memref<128xf32, #tpu.memory_space<vmem>>
    %dma_start3A_10 = arith.constant 0 : i32
    %dma_start3A_11 = tpu.memref_slice %arg14[%dma_start3A_10] : memref<512xi32, #tpu.memory_space<vmem>> -> memref<128xi32, #tpu.memory_space<vmem>>
    %dma_start3A_12 = arith.constant 0 : i32
    %dma_start3A_13 = tpu.memref_slice %arg6[%dma_start3A_12] : memref<131072xf32, #tpu.memory_space<hbm>> -> memref<131072xf32, #tpu.memory_space<hbm>>
    tpu.enqueue_indirect_dma source(%dma_start3A_13 : memref<131072xf32, #tpu.memory_space<hbm>>) target(%dma_start3A_9 : memref<128xf32, #tpu.memory_space<vmem>>) offsets(%dma_start3A_11 : memref<128xi32, #tpu.memory_space<vmem>>) semaphore(%arg24 : memref<!tpu.dma_semaphore, #tpu.memory_space<semaphore_mem>>)
    %dma_start3A_14 = arith.constant 128 : i32
    %dma_start3A_15 = tpu.memref_slice %arg16[%dma_start3A_14] : memref<512xf32, #tpu.memory_space<vmem>> -> memref<128xf32, #tpu.memory_space<vmem>>
    %dma_start3A_16 = arith.constant 128 : i32
    %dma_start3A_17 = tpu.memref_slice %arg13[%dma_start3A_16] : memref<512xi32, #tpu.memory_space<vmem>> -> memref<128xi32, #tpu.memory_space<vmem>>
    %dma_start3A_18 = arith.constant 0 : i32
    %dma_start3A_19 = tpu.memref_slice %arg5[%dma_start3A_18] : memref<1015808xf32, #tpu.memory_space<hbm>> -> memref<1015808xf32, #tpu.memory_space<hbm>>
    tpu.enqueue_indirect_dma source(%dma_start3A_19 : memref<1015808xf32, #tpu.memory_space<hbm>>) target(%dma_start3A_15 : memref<128xf32, #tpu.memory_space<vmem>>) offsets(%dma_start3A_17 : memref<128xi32, #tpu.memory_space<vmem>>) semaphore(%arg24 : memref<!tpu.dma_semaphore, #tpu.memory_space<semaphore_mem>>)
    %dma_start3A_20 = arith.constant 128 : i32
    %dma_start3A_21 = tpu.memref_slice %arg17[%dma_start3A_20] : memref<512xf32, #tpu.memory_space<vmem>> -> memref<128xf32, #tpu.memory_space<vmem>>
    %dma_start3A_22 = arith.constant 128 : i32
    %dma_start3A_23 = tpu.memref_slice %arg14[%dma_start3A_22] : memref<512xi32, #tpu.memory_space<vmem>> -> memref<128xi32, #tpu.memory_space<vmem>>
    %dma_start3A_24 = arith.constant 0 : i32
    %dma_start3A_25 = tpu.memref_slice %arg6[%dma_start3A_24] : memref<131072xf32, #tpu.memory_space<hbm>> -> memref<131072xf32, #tpu.memory_space<hbm>>
    tpu.enqueue_indirect_dma source(%dma_start3A_25 : memref<131072xf32, #tpu.memory_space<hbm>>) target(%dma_start3A_21 : memref<128xf32, #tpu.memory_space<vmem>>) offsets(%dma_start3A_23 : memref<128xi32, #tpu.memory_space<vmem>>) semaphore(%arg24 : memref<!tpu.dma_semaphore, #tpu.memory_space<semaphore_mem>>)
    %dma_start3A_26 = arith.constant 256 : i32
    %dma_start3A_27 = tpu.memref_slice %arg16[%dma_start3A_26] : memref<512xf32, #tpu.memory_space<vmem>> -> memref<128xf32, #tpu.memory_space<vmem>>
    %dma_start3A_28 = arith.constant 256 : i32
    %dma_start3A_29 = tpu.memref_slice %arg13[%dma_start3A_28] : memref<512xi32, #tpu.memory_space<vmem>> -> memref<128xi32, #tpu.memory_space<vmem>>
    %dma_start3A_30 = arith.constant 0 : i32
    %dma_start3A_31 = tpu.memref_slice %arg5[%dma_start3A_30] : memref<1015808xf32, #tpu.memory_space<hbm>> -> memref<1015808xf32, #tpu.memory_space<hbm>>
    tpu.enqueue_indirect_dma source(%dma_start3A_31 : memref<1015808xf32, #tpu.memory_space<hbm>>) target(%dma_start3A_27 : memref<128xf32, #tpu.memory_space<vmem>>) offsets(%dma_start3A_29 : memref<128xi32, #tpu.memory_space<vmem>>) semaphore(%arg24 : memref<!tpu.dma_semaphore, #tpu.memory_space<semaphore_mem>>)
    %dma_start3A_32 = arith.constant 256 : i32
    %dma_start3A_33 = tpu.memref_slice %arg17[%dma_start3A_32] : memref<512xf32, #tpu.memory_space<vmem>> -> memref<128xf32, #tpu.memory_space<vmem>>
    %dma_start3A_34 = arith.constant 256 : i32
    %dma_start3A_35 = tpu.memref_slice %arg14[%dma_start3A_34] : memref<512xi32, #tpu.memory_space<vmem>> -> memref<128xi32, #tpu.memory_space<vmem>>
    %dma_start3A_36 = arith.constant 0 : i32
    %dma_start3A_37 = tpu.memref_slice %arg6[%dma_start3A_36] : memref<131072xf32, #tpu.memory_space<hbm>> -> memref<131072xf32, #tpu.memory_space<hbm>>
    tpu.enqueue_indirect_dma source(%dma_start3A_37 : memref<131072xf32, #tpu.memory_space<hbm>>) target(%dma_start3A_33 : memref<128xf32, #tpu.memory_space<vmem>>) offsets(%dma_start3A_35 : memref<128xi32, #tpu.memory_space<vmem>>) semaphore(%arg24 : memref<!tpu.dma_semaphore, #tpu.memory_space<semaphore_mem>>)
    %dma_start3A_38 = arith.constant 384 : i32
    %dma_start3A_39 = tpu.memref_slice %arg16[%dma_start3A_38] : memref<512xf32, #tpu.memory_space<vmem>> -> memref<128xf32, #tpu.memory_space<vmem>>
    %dma_start3A_40 = arith.constant 384 : i32
    %dma_start3A_41 = tpu.memref_slice %arg13[%dma_start3A_40] : memref<512xi32, #tpu.memory_space<vmem>> -> memref<128xi32, #tpu.memory_space<vmem>>
    %dma_start3A_42 = arith.constant 0 : i32
    %dma_start3A_43 = tpu.memref_slice %arg5[%dma_start3A_42] : memref<1015808xf32, #tpu.memory_space<hbm>> -> memref<1015808xf32, #tpu.memory_space<hbm>>
    tpu.enqueue_indirect_dma source(%dma_start3A_43 : memref<1015808xf32, #tpu.memory_space<hbm>>) target(%dma_start3A_39 : memref<128xf32, #tpu.memory_space<vmem>>) offsets(%dma_start3A_41 : memref<128xi32, #tpu.memory_space<vmem>>) semaphore(%arg24 : memref<!tpu.dma_semaphore, #tpu.memory_space<semaphore_mem>>)
    %dma_start3A_44 = arith.constant 384 : i32
    %dma_start3A_45 = tpu.memref_slice %arg17[%dma_start3A_44] : memref<512xf32, #tpu.memory_space<vmem>> -> memref<128xf32, #tpu.memory_space<vmem>>
    %dma_start3A_46 = arith.constant 384 : i32
    %dma_start3A_47 = tpu.memref_slice %arg14[%dma_start3A_46] : memref<512xi32, #tpu.memory_space<vmem>> -> memref<128xi32, #tpu.memory_space<vmem>>
    %dma_start3A_48 = arith.constant 0 : i32
    %dma_start3A_49 = tpu.memref_slice %arg6[%dma_start3A_48] : memref<131072xf32, #tpu.memory_space<hbm>> -> memref<131072xf32, #tpu.memory_space<hbm>>
    tpu.enqueue_indirect_dma source(%dma_start3A_49 : memref<131072xf32, #tpu.memory_space<hbm>>) target(%dma_start3A_45 : memref<128xf32, #tpu.memory_space<vmem>>) offsets(%dma_start3A_47 : memref<128xi32, #tpu.memory_space<vmem>>) semaphore(%arg24 : memref<!tpu.dma_semaphore, #tpu.memory_space<semaphore_mem>>)
    "tpu.region"() ({
      %run_scoped3A = tpu.sem_alloc : memref<!tpu.dma_semaphore, #tpu.memory_space<semaphore_mem>>
      %dma_start3A_128 = tpu.memref_slice %arg4[%mul3A_2] : memref<16384xi32, #tpu.memory_space<hbm>> -> memref<512xi32, #tpu.memory_space<hbm>>
      %dma_start3A_129 = tpu.memref_slice %arg4[%mul3A_2] : memref<16384xi32, #tpu.memory_space<hbm>> -> memref<512xi32, #tpu.memory_space<hbm>>
      tpu.enqueue_dma source(%dma_start3A_129 : memref<512xi32, #tpu.memory_space<hbm>>) target(%arg15 : memref<512xi32, #tpu.memory_space<vmem>>) target_semaphore(%run_scoped3A : memref<!tpu.dma_semaphore, #tpu.memory_space<semaphore_mem>>)
      %dma_wait3A_130 = tpu.memref_slice %arg4[%mul3A_2] : memref<16384xi32, #tpu.memory_space<hbm>> -> memref<512xi32, #tpu.memory_space<hbm>>
      %dma_wait3A_131 = tpu.memref_slice %arg4[%mul3A_2] : memref<16384xi32, #tpu.memory_space<hbm>> -> memref<512xi32, #tpu.memory_space<hbm>>
      tpu.wait_dma2 semaphore(%run_scoped3A : memref<!tpu.dma_semaphore, #tpu.memory_space<semaphore_mem>>) src(%dma_wait3A_131 : memref<512xi32, #tpu.memory_space<hbm>>) dst(%arg15 : memref<512xi32, #tpu.memory_space<vmem>>)
      tpu.yield
    }) : () -> ()
    "tpu.region"() ({
      %run_scoped3A = tpu.sem_alloc : memref<!tpu.dma_semaphore, #tpu.memory_space<semaphore_mem>>
      %dma_start3A_128 = arith.constant 0 : i32
      %dma_start3A_129 = tpu.memref_slice %arg8[%dma_start3A_128] : memref<128xf32, #tpu.memory_space<hbm>> -> memref<16xf32, #tpu.memory_space<hbm>>
      %dma_start3A_130 = arith.constant 0 : i32
      %dma_start3A_131 = tpu.memref_slice %arg8[%dma_start3A_130] : memref<128xf32, #tpu.memory_space<hbm>> -> memref<16xf32, #tpu.memory_space<hbm>>
      tpu.enqueue_dma source(%dma_start3A_131 : memref<16xf32, #tpu.memory_space<hbm>>) target(%arg18 : memref<16xf32, #tpu.memory_space<vmem>>) target_semaphore(%run_scoped3A : memref<!tpu.dma_semaphore, #tpu.memory_space<semaphore_mem>>)
      %dma_wait3A_132 = arith.constant 0 : i32
      %dma_wait3A_133 = tpu.memref_slice %arg8[%dma_wait3A_132] : memref<128xf32, #tpu.memory_space<hbm>> -> memref<16xf32, #tpu.memory_space<hbm>>
      %dma_wait3A_134 = arith.constant 0 : i32
      %dma_wait3A_135 = tpu.memref_slice %arg8[%dma_wait3A_134] : memref<128xf32, #tpu.memory_space<hbm>> -> memref<16xf32, #tpu.memory_space<hbm>>
      tpu.wait_dma2 semaphore(%run_scoped3A : memref<!tpu.dma_semaphore, #tpu.memory_space<semaphore_mem>>) src(%dma_wait3A_135 : memref<16xf32, #tpu.memory_space<hbm>>) dst(%arg18 : memref<16xf32, #tpu.memory_space<vmem>>)
      tpu.yield
    }) : () -> ()
    "tpu.region"() ({
      %run_scoped3A = tpu.sem_alloc : memref<!tpu.dma_semaphore, #tpu.memory_space<semaphore_mem>>
      tpu.enqueue_dma source(%arg11 : memref<224xf32, #tpu.memory_space<hbm>>) target(%arg22 : memref<224xf32, #tpu.memory_space<vmem>>) target_semaphore(%run_scoped3A : memref<!tpu.dma_semaphore, #tpu.memory_space<semaphore_mem>>)
      tpu.wait_dma2 semaphore(%run_scoped3A : memref<!tpu.dma_semaphore, #tpu.memory_space<semaphore_mem>>) src(%arg11 : memref<224xf32, #tpu.memory_space<hbm>>) dst(%arg22 : memref<224xf32, #tpu.memory_space<vmem>>)
      tpu.yield
    }) : () -> ()
    "tpu.region"() ({
      %run_scoped3A = tpu.sem_alloc : memref<!tpu.dma_semaphore, #tpu.memory_space<semaphore_mem>>
      %dma_start3A_128 = tpu.memref_slice %arg7[%mul3A_2] : memref<16384xf32, #tpu.memory_space<hbm>> -> memref<512xf32, #tpu.memory_space<hbm>>
      %dma_start3A_129 = tpu.memref_slice %arg7[%mul3A_2] : memref<16384xf32, #tpu.memory_space<hbm>> -> memref<512xf32, #tpu.memory_space<hbm>>
      tpu.enqueue_dma source(%dma_start3A_129 : memref<512xf32, #tpu.memory_space<hbm>>) target(%arg19 : memref<512xf32, #tpu.memory_space<vmem>>) target_semaphore(%run_scoped3A : memref<!tpu.dma_semaphore, #tpu.memory_space<semaphore_mem>>)
      %dma_wait3A_130 = tpu.memref_slice %arg7[%mul3A_2] : memref<16384xf32, #tpu.memory_space<hbm>> -> memref<512xf32, #tpu.memory_space<hbm>>
      %dma_wait3A_131 = tpu.memref_slice %arg7[%mul3A_2] : memref<16384xf32, #tpu.memory_space<hbm>> -> memref<512xf32, #tpu.memory_space<hbm>>
      tpu.wait_dma2 semaphore(%run_scoped3A : memref<!tpu.dma_semaphore, #tpu.memory_space<semaphore_mem>>) src(%dma_wait3A_131 : memref<512xf32, #tpu.memory_space<hbm>>) dst(%arg19 : memref<512xf32, #tpu.memory_space<vmem>>)
      tpu.yield
    }) : () -> ()
    "tpu.region"() ({
      %run_scoped3A = tpu.sem_alloc : memref<!tpu.dma_semaphore, #tpu.memory_space<semaphore_mem>>
      %dma_start3A_128 = tpu.memref_slice %arg9[%mul3A_2] : memref<16384xf32, #tpu.memory_space<hbm>> -> memref<512xf32, #tpu.memory_space<hbm>>
      %dma_start3A_129 = tpu.memref_slice %arg9[%mul3A_2] : memref<16384xf32, #tpu.memory_space<hbm>> -> memref<512xf32, #tpu.memory_space<hbm>>
      tpu.enqueue_dma source(%dma_start3A_129 : memref<512xf32, #tpu.memory_space<hbm>>) target(%arg20 : memref<512xf32, #tpu.memory_space<vmem>>) target_semaphore(%run_scoped3A : memref<!tpu.dma_semaphore, #tpu.memory_space<semaphore_mem>>)
      %dma_wait3A_130 = tpu.memref_slice %arg9[%mul3A_2] : memref<16384xf32, #tpu.memory_space<hbm>> -> memref<512xf32, #tpu.memory_space<hbm>>
      %dma_wait3A_131 = tpu.memref_slice %arg9[%mul3A_2] : memref<16384xf32, #tpu.memory_space<hbm>> -> memref<512xf32, #tpu.memory_space<hbm>>
      tpu.wait_dma2 semaphore(%run_scoped3A : memref<!tpu.dma_semaphore, #tpu.memory_space<semaphore_mem>>) src(%dma_wait3A_131 : memref<512xf32, #tpu.memory_space<hbm>>) dst(%arg20 : memref<512xf32, #tpu.memory_space<vmem>>)
      tpu.yield
    }) : () -> ()
    "tpu.region"() ({
      %run_scoped3A = tpu.sem_alloc : memref<!tpu.dma_semaphore, #tpu.memory_space<semaphore_mem>>
      %dma_start3A_128 = tpu.memref_slice %arg10[%mul3A_2] : memref<16384xf32, #tpu.memory_space<hbm>> -> memref<512xf32, #tpu.memory_space<hbm>>
      %dma_start3A_129 = tpu.memref_slice %arg10[%mul3A_2] : memref<16384xf32, #tpu.memory_space<hbm>> -> memref<512xf32, #tpu.memory_space<hbm>>
      tpu.enqueue_dma source(%dma_start3A_129 : memref<512xf32, #tpu.memory_space<hbm>>) target(%arg21 : memref<512xf32, #tpu.memory_space<vmem>>) target_semaphore(%run_scoped3A : memref<!tpu.dma_semaphore, #tpu.memory_space<semaphore_mem>>)
      %dma_wait3A_130 = tpu.memref_slice %arg10[%mul3A_2] : memref<16384xf32, #tpu.memory_space<hbm>> -> memref<512xf32, #tpu.memory_space<hbm>>
      %dma_wait3A_131 = tpu.memref_slice %arg10[%mul3A_2] : memref<16384xf32, #tpu.memory_space<hbm>> -> memref<512xf32, #tpu.memory_space<hbm>>
      tpu.wait_dma2 semaphore(%run_scoped3A : memref<!tpu.dma_semaphore, #tpu.memory_space<semaphore_mem>>) src(%dma_wait3A_131 : memref<512xf32, #tpu.memory_space<hbm>>) dst(%arg21 : memref<512xf32, #tpu.memory_space<vmem>>)
      tpu.yield
    }) : () -> ()
    %get3A = arith.constant 0 : index
    %get3A_50 = tpu.vector_load %arg22[%get3A] {strides = array<i32>} : memref<224xf32, #tpu.memory_space<vmem>>, vector<16xf32>,
    %get3A_51 = arith.constant 16 : index
    %get3A_52 = tpu.vector_load %arg22[%get3A_51] {strides = array<i32>} : memref<224xf32, #tpu.memory_space<vmem>>, vector<16xf32>,
    %get3A_53 = arith.constant 32 : index
    %get3A_54 = tpu.vector_load %arg22[%get3A_53] {strides = array<i32>} : memref<224xf32, #tpu.memory_space<vmem>>, vector<16xf32>,
    %get3A_55 = arith.constant 48 : index
    %get3A_56 = tpu.vector_load %arg22[%get3A_55] {strides = array<i32>} : memref<224xf32, #tpu.memory_space<vmem>>, vector<16xf32>,
    %get3A_57 = arith.constant 64 : index
    %get3A_58 = tpu.vector_load %arg22[%get3A_57] {strides = array<i32>} : memref<224xf32, #tpu.memory_space<vmem>>, vector<16xf32>,
    %get3A_59 = arith.constant 80 : index
    %get3A_60 = tpu.vector_load %arg22[%get3A_59] {strides = array<i32>} : memref<224xf32, #tpu.memory_space<vmem>>, vector<16xf32>,
    %get3A_61 = arith.constant 96 : index
    %get3A_62 = tpu.vector_load %arg22[%get3A_61] {strides = array<i32>} : memref<224xf32, #tpu.memory_space<vmem>>, vector<16xf32>,
    %get3A_63 = arith.constant 112 : index
    %get3A_64 = tpu.vector_load %arg22[%get3A_63] {strides = array<i32>} : memref<224xf32, #tpu.memory_space<vmem>>, vector<16xf32>,
    %get3A_65 = arith.constant 128 : index
    %get3A_66 = tpu.vector_load %arg22[%get3A_65] {strides = array<i32>} : memref<224xf32, #tpu.memory_space<vmem>>, vector<16xf32>,
    %get3A_67 = arith.constant 144 : index
    %get3A_68 = tpu.vector_load %arg22[%get3A_67] {strides = array<i32>} : memref<224xf32, #tpu.memory_space<vmem>>, vector<16xf32>,
    %get3A_69 = arith.constant 160 : index
    %get3A_70 = tpu.vector_load %arg22[%get3A_69] {strides = array<i32>} : memref<224xf32, #tpu.memory_space<vmem>>, vector<16xf32>,
    %get3A_71 = arith.constant 176 : index
    %get3A_72 = tpu.vector_load %arg22[%get3A_71] {strides = array<i32>} : memref<224xf32, #tpu.memory_space<vmem>>, vector<16xf32>,
    %get3A_73 = arith.constant 192 : index
    %get3A_74 = tpu.vector_load %arg22[%get3A_73] {strides = array<i32>} : memref<224xf32, #tpu.memory_space<vmem>>, vector<16xf32>,
    %get3A_75 = arith.constant 208 : index
    %get3A_76 = tpu.vector_load %arg22[%get3A_75] {strides = array<i32>} : memref<224xf32, #tpu.memory_space<vmem>>, vector<16xf32>,
    %slice3A = vector.extract_strided_slice %get3A_76 {offsets = [8], sizes = [1], strides = [1]} : vector<16xf32> to vector<1xf32>
    %squeeze3A = vector.extract %slice3A[0] : f32 from vector<1xf32>
    %dma_wait3A = arith.constant 0 : i32
    %dma_wait3A_77 = tpu.memref_slice %arg16[%dma_wait3A] : memref<512xf32, #tpu.memory_space<vmem>> -> memref<128xf32, #tpu.memory_space<vmem>>
    %dma_wait3A_78 = arith.constant 0 : i32
    %dma_wait3A_79 = tpu.memref_slice %arg13[%dma_wait3A_78] : memref<512xi32, #tpu.memory_space<vmem>> -> memref<128xi32, #tpu.memory_space<vmem>>
    %dma_wait3A_80 = arith.constant 0 : i32
    %dma_wait3A_81 = tpu.memref_slice %arg5[%dma_wait3A_80] : memref<1015808xf32, #tpu.memory_space<hbm>> -> memref<1015808xf32, #tpu.memory_space<hbm>>
    tpu.wait_indirect_dma semaphore(%arg24 : memref<!tpu.dma_semaphore, #tpu.memory_space<semaphore_mem>>) src(%dma_wait3A_81 : memref<1015808xf32, #tpu.memory_space<hbm>>) dst(%dma_wait3A_77 : memref<128xf32, #tpu.memory_space<vmem>>)
    %dma_wait3A_82 = arith.constant 0 : i32
    %dma_wait3A_83 = tpu.memref_slice %arg17[%dma_wait3A_82] : memref<512xf32, #tpu.memory_space<vmem>> -> memref<128xf32, #tpu.memory_space<vmem>>
    %dma_wait3A_84 = arith.constant 0 : i32
    %dma_wait3A_85 = tpu.memref_slice %arg14[%dma_wait3A_84] : memref<512xi32, #tpu.memory_space<vmem>> -> memref<128xi32, #tpu.memory_space<vmem>>
    %dma_wait3A_86 = arith.constant 0 : i32
    %dma_wait3A_87 = tpu.memref_slice %arg6[%dma_wait3A_86] : memref<131072xf32, #tpu.memory_space<hbm>> -> memref<131072xf32, #tpu.memory_space<hbm>>
    tpu.wait_indirect_dma semaphore(%arg24 : memref<!tpu.dma_semaphore, #tpu.memory_space<semaphore_mem>>) src(%dma_wait3A_87 : memref<131072xf32, #tpu.memory_space<hbm>>) dst(%dma_wait3A_83 : memref<128xf32, #tpu.memory_space<vmem>>)
    %dma_wait3A_88 = arith.constant 128 : i32
    %dma_wait3A_89 = tpu.memref_slice %arg16[%dma_wait3A_88] : memref<512xf32, #tpu.memory_space<vmem>> -> memref<128xf32, #tpu.memory_space<vmem>>
    %dma_wait3A_90 = arith.constant 128 : i32
    %dma_wait3A_91 = tpu.memref_slice %arg13[%dma_wait3A_90] : memref<512xi32, #tpu.memory_space<vmem>> -> memref<128xi32, #tpu.memory_space<vmem>>
    %dma_wait3A_92 = arith.constant 0 : i32
    %dma_wait3A_93 = tpu.memref_slice %arg5[%dma_wait3A_92] : memref<1015808xf32, #tpu.memory_space<hbm>> -> memref<1015808xf32, #tpu.memory_space<hbm>>
    tpu.wait_indirect_dma semaphore(%arg24 : memref<!tpu.dma_semaphore, #tpu.memory_space<semaphore_mem>>) src(%dma_wait3A_93 : memref<1015808xf32, #tpu.memory_space<hbm>>) dst(%dma_wait3A_89 : memref<128xf32, #tpu.memory_space<vmem>>)
    %dma_wait3A_94 = arith.constant 128 : i32
    %dma_wait3A_95 = tpu.memref_slice %arg17[%dma_wait3A_94] : memref<512xf32, #tpu.memory_space<vmem>> -> memref<128xf32, #tpu.memory_space<vmem>>
    %dma_wait3A_96 = arith.constant 128 : i32
    %dma_wait3A_97 = tpu.memref_slice %arg14[%dma_wait3A_96] : memref<512xi32, #tpu.memory_space<vmem>> -> memref<128xi32, #tpu.memory_space<vmem>>
    %dma_wait3A_98 = arith.constant 0 : i32
    %dma_wait3A_99 = tpu.memref_slice %arg6[%dma_wait3A_98] : memref<131072xf32, #tpu.memory_space<hbm>> -> memref<131072xf32, #tpu.memory_space<hbm>>
    tpu.wait_indirect_dma semaphore(%arg24 : memref<!tpu.dma_semaphore, #tpu.memory_space<semaphore_mem>>) src(%dma_wait3A_99 : memref<131072xf32, #tpu.memory_space<hbm>>) dst(%dma_wait3A_95 : memref<128xf32, #tpu.memory_space<vmem>>)
    %dma_wait3A_100 = arith.constant 256 : i32
    %dma_wait3A_101 = tpu.memref_slice %arg16[%dma_wait3A_100] : memref<512xf32, #tpu.memory_space<vmem>> -> memref<128xf32, #tpu.memory_space<vmem>>
    %dma_wait3A_102 = arith.constant 256 : i32
    %dma_wait3A_103 = tpu.memref_slice %arg13[%dma_wait3A_102] : memref<512xi32, #tpu.memory_space<vmem>> -> memref<128xi32, #tpu.memory_space<vmem>>
    %dma_wait3A_104 = arith.constant 0 : i32
    %dma_wait3A_105 = tpu.memref_slice %arg5[%dma_wait3A_104] : memref<1015808xf32, #tpu.memory_space<hbm>> -> memref<1015808xf32, #tpu.memory_space<hbm>>
    tpu.wait_indirect_dma semaphore(%arg24 : memref<!tpu.dma_semaphore, #tpu.memory_space<semaphore_mem>>) src(%dma_wait3A_105 : memref<1015808xf32, #tpu.memory_space<hbm>>) dst(%dma_wait3A_101 : memref<128xf32, #tpu.memory_space<vmem>>)
    %dma_wait3A_106 = arith.constant 256 : i32
    %dma_wait3A_107 = tpu.memref_slice %arg17[%dma_wait3A_106] : memref<512xf32, #tpu.memory_space<vmem>> -> memref<128xf32, #tpu.memory_space<vmem>>
    %dma_wait3A_108 = arith.constant 256 : i32
    %dma_wait3A_109 = tpu.memref_slice %arg14[%dma_wait3A_108] : memref<512xi32, #tpu.memory_space<vmem>> -> memref<128xi32, #tpu.memory_space<vmem>>
    %dma_wait3A_110 = arith.constant 0 : i32
    %dma_wait3A_111 = tpu.memref_slice %arg6[%dma_wait3A_110] : memref<131072xf32, #tpu.memory_space<hbm>> -> memref<131072xf32, #tpu.memory_space<hbm>>
    tpu.wait_indirect_dma semaphore(%arg24 : memref<!tpu.dma_semaphore, #tpu.memory_space<semaphore_mem>>) src(%dma_wait3A_111 : memref<131072xf32, #tpu.memory_space<hbm>>) dst(%dma_wait3A_107 : memref<128xf32, #tpu.memory_space<vmem>>)
    %dma_wait3A_112 = arith.constant 384 : i32
    %dma_wait3A_113 = tpu.memref_slice %arg16[%dma_wait3A_112] : memref<512xf32, #tpu.memory_space<vmem>> -> memref<128xf32, #tpu.memory_space<vmem>>
    %dma_wait3A_114 = arith.constant 384 : i32
    %dma_wait3A_115 = tpu.memref_slice %arg13[%dma_wait3A_114] : memref<512xi32, #tpu.memory_space<vmem>> -> memref<128xi32, #tpu.memory_space<vmem>>
    %dma_wait3A_116 = arith.constant 0 : i32
    %dma_wait3A_117 = tpu.memref_slice %arg5[%dma_wait3A_116] : memref<1015808xf32, #tpu.memory_space<hbm>> -> memref<1015808xf32, #tpu.memory_space<hbm>>
    tpu.wait_indirect_dma semaphore(%arg24 : memref<!tpu.dma_semaphore, #tpu.memory_space<semaphore_mem>>) src(%dma_wait3A_117 : memref<1015808xf32, #tpu.memory_space<hbm>>) dst(%dma_wait3A_113 : memref<128xf32, #tpu.memory_space<vmem>>)
    %dma_wait3A_118 = arith.constant 384 : i32
    %dma_wait3A_119 = tpu.memref_slice %arg17[%dma_wait3A_118] : memref<512xf32, #tpu.memory_space<vmem>> -> memref<128xf32, #tpu.memory_space<vmem>>
    %dma_wait3A_120 = arith.constant 384 : i32
    %dma_wait3A_121 = tpu.memref_slice %arg14[%dma_wait3A_120] : memref<512xi32, #tpu.memory_space<vmem>> -> memref<128xi32, #tpu.memory_space<vmem>>
    %dma_wait3A_122 = arith.constant 0 : i32
    %dma_wait3A_123 = tpu.memref_slice %arg6[%dma_wait3A_122] : memref<131072xf32, #tpu.memory_space<hbm>> -> memref<131072xf32, #tpu.memory_space<hbm>>
    tpu.wait_indirect_dma semaphore(%arg24 : memref<!tpu.dma_semaphore, #tpu.memory_space<semaphore_mem>>) src(%dma_wait3A_123 : memref<131072xf32, #tpu.memory_space<hbm>>) dst(%dma_wait3A_119 : memref<128xf32, #tpu.memory_space<vmem>>)
    %scan3A = arith.constant 0 : i32
    %scan3A_124 = arith.constant 32 : i32
    %scan3A_125 = arith.addi %scan3A, %scan3A_124 : i32
    %scan3A_126 = arith.constant 1 : i32
    scf.for %scan3A_128 = %scan3A to %scan3A_125 step %scan3A_126  : i32 {
      %mul3A_129 = arith.constant 1 : i32
      %mul3A_130 = arith.muli %scan3A_128, %mul3A_129 : i32
      %add3A_131 = arith.constant 0 : i32
      %add3A_132 = arith.addi %add3A_131, %mul3A_130 : i32
      %mul3A_133 = arith.constant 16 : i32
      %mul3A_134 = arith.muli %add3A_132, %mul3A_133 : i32
      %multiple_of3A = tpu.assume_multiple %mul3A_134, 16 : i32
      %get3A_135 = arith.index_cast %multiple_of3A : i32 to index
      %get3A_136 = tpu.vector_load %arg15[%get3A_135] {strides = array<i32>} : memref<512xi32, #tpu.memory_space<vmem>>, vector<16xi32>,
      %gather3A = tpu.vector_load_idx %arg18[%get3A_136] : memref<16xf32, #tpu.memory_space<vmem>>[vector<16xi32>], vector<16xf32>,
      %get3A_137 = arith.index_cast %multiple_of3A : i32 to index
      %get3A_138 = tpu.vector_load %arg16[%get3A_137] {strides = array<i32>} : memref<512xf32, #tpu.memory_space<vmem>>, vector<16xf32>,
      %add3A_139 = vector.broadcast %squeeze3A : f32 to vector<16xf32>
      %add3A_140 = arith.addf %add3A_139, %get3A_138 : vector<16xf32>
      %get3A_141 = arith.index_cast %multiple_of3A : i32 to index
      %get3A_142 = tpu.vector_load %arg17[%get3A_141] {strides = array<i32>} : memref<512xf32, #tpu.memory_space<vmem>>, vector<16xf32>,
      %add3A_143 = arith.addf %add3A_140, %get3A_142 : vector<16xf32>
      %add3A_144 = arith.addf %add3A_143, %gather3A : vector<16xf32>
      %get3A_145 = arith.index_cast %multiple_of3A : i32 to index
      %get3A_146 = tpu.vector_load %arg19[%get3A_145] {strides = array<i32>} : memref<512xf32, #tpu.memory_space<vmem>>, vector<16xf32>,
      %add3A_147 = arith.addf %add3A_144, %get3A_146 : vector<16xf32>
      %get3A_148 = arith.index_cast %multiple_of3A : i32 to index
      %get3A_149 = tpu.vector_load %arg20[%get3A_148] {strides = array<i32>} : memref<512xf32, #tpu.memory_space<vmem>>, vector<16xf32>,
      %slice3A_150 = vector.extract_strided_slice %get3A_52 {offsets = [6], sizes = [1], strides = [1]} : vector<16xf32> to vector<1xf32>
      %squeeze3A_151 = vector.extract %slice3A_150[0] : f32 from vector<1xf32>
      %mul3A_152 = vector.broadcast %squeeze3A_151 : f32 to vector<16xf32>
      %mul3A_153 = arith.mulf %get3A_149, %mul3A_152 : vector<16xf32>
      %add3A_154 = arith.addf %add3A_147, %mul3A_153 : vector<16xf32>
      %get3A_155 = arith.index_cast %multiple_of3A : i32 to index
      %get3A_156 = tpu.vector_load %arg21[%get3A_155] {strides = array<i32>} : memref<512xf32, #tpu.memory_space<vmem>>, vector<16xf32>,
      %slice3A_157 = vector.extract_strided_slice %get3A_52 {offsets = [7], sizes = [1], strides = [1]} : vector<16xf32> to vector<1xf32>
      %squeeze3A_158 = vector.extract %slice3A_157[0] : f32 from vector<1xf32>
      %mul3A_159 = vector.broadcast %squeeze3A_158 : f32 to vector<16xf32>
      %mul3A_160 = arith.mulf %get3A_156, %mul3A_159 : vector<16xf32>
      %add3A_161 = arith.addf %add3A_154, %mul3A_160 : vector<16xf32>
      %neg3A = arith.constant 0.000000e+00 : f32
      %neg3A_162 = vector.broadcast %neg3A : f32 to vector<16xf32>
      %neg3A_163 = arith.subf %neg3A_162, %add3A_161 : vector<16xf32>
      %exp3A = math.exp %neg3A_163 : vector<16xf32>
      %add3A_164 = arith.constant 1.000000e+00 : f32
      %add3A_165 = vector.broadcast %add3A_164 : f32 to vector<16xf32>
      %add3A_166 = arith.addf %add3A_165, %exp3A : vector<16xf32>
      %div3A = arith.constant 1.000000e+00 : f32
      %div3A_167 = vector.broadcast %div3A : f32 to vector<16xf32>
      %div3A_168 = arith.divf %div3A_167, %add3A_166 : vector<16xf32>
      %swap3A = arith.index_cast %multiple_of3A : i32 to index
      %swap3A_169 = tpu.vector_load %arg23[%swap3A] {strides = array<i32>} : memref<512xf32, #tpu.memory_space<vmem>>, vector<16xf32>,
      tpu.vector_store %arg23[%swap3A], %div3A_168 {strides = array<i32>} : memref<512xf32, #tpu.memory_space<vmem>>, vector<16xf32>,
    }
    %scan3A_127 = arith.constant 32 : i32
    "tpu.region"() ({
      %run_scoped3A = tpu.sem_alloc : memref<!tpu.dma_semaphore, #tpu.memory_space<semaphore_mem>>
      %dma_start3A_128 = tpu.memref_slice %arg12[%mul3A_2] : memref<16384xf32, #tpu.memory_space<hbm>> -> memref<512xf32, #tpu.memory_space<hbm>>
      %dma_start3A_129 = tpu.memref_slice %arg12[%mul3A_2] : memref<16384xf32, #tpu.memory_space<hbm>> -> memref<512xf32, #tpu.memory_space<hbm>>
      tpu.enqueue_dma source(%arg23 : memref<512xf32, #tpu.memory_space<vmem>>) target(%dma_start3A_129 : memref<512xf32, #tpu.memory_space<hbm>>) target_semaphore(%run_scoped3A : memref<!tpu.dma_semaphore, #tpu.memory_space<semaphore_mem>>)
      %dma_wait3A_130 = tpu.memref_slice %arg12[%mul3A_2] : memref<16384xf32, #tpu.memory_space<hbm>> -> memref<512xf32, #tpu.memory_space<hbm>>
      %dma_wait3A_131 = tpu.memref_slice %arg12[%mul3A_2] : memref<16384xf32, #tpu.memory_space<hbm>> -> memref<512xf32, #tpu.memory_space<hbm>>
      tpu.wait_dma2 semaphore(%run_scoped3A : memref<!tpu.dma_semaphore, #tpu.memory_space<semaphore_mem>>) src(%arg23 : memref<512xf32, #tpu.memory_space<vmem>>) dst(%dma_wait3A_131 : memref<512xf32, #tpu.memory_space<hbm>>)
      tpu.yield
    }) : () -> ()
    return
  }
}

module attributes {stable_mosaic.version = 14 : i64} {
  func.func @body(%arg0: i32, %arg1: memref<1x216xf32, #tpu.memory_space<vmem>>, %arg2: memref<64x32768xf32, #tpu.memory_space<vmem>>, %arg3: memref<64x32768xf32, #tpu.memory_space<vmem>>, %arg4: memref<22x16384xf32, #tpu.memory_space<vmem>>, %arg5: memref<64x10xf32, #tpu.memory_space<vmem>>, %arg6: memref<32768xf32, #tpu.memory_space<vmem>>, %arg7: memref<32768xf32, #tpu.memory_space<vmem>>, %arg8: memref<16384xf32, #tpu.memory_space<vmem>>, %arg9: memref<128xf32, #tpu.memory_space<vmem>>) attributes {dimension_semantics = [#tpu.dimension_semantics<arbitrary>], iteration_bounds = array<i64: 36>, scalar_prefetch = 0 : i64, scratch_operands = 0 : i64, tpu.core_type = #tpu.core_type<tc>, window_params = [{pipeline_mode = #tpu.pipeline_mode<synchronous>, transform_indices = @transform_0, window_bounds = array<i64: 1, 216>}, {transform_indices = @transform_1, window_bounds = array<i64: 64, 32768>}, {transform_indices = @transform_2, window_bounds = array<i64: 64, 32768>}, {pipeline_mode = #tpu.pipeline_mode<synchronous>, transform_indices = @transform_3, window_bounds = array<i64: 22, 16384>}, {pipeline_mode = #tpu.pipeline_mode<synchronous>, transform_indices = @transform_4, window_bounds = array<i64: 64, 10>}, {transform_indices = @transform_5, window_bounds = array<i64: 32768>}, {transform_indices = @transform_6, window_bounds = array<i64: 32768>}, {pipeline_mode = #tpu.pipeline_mode<synchronous>, transform_indices = @transform_7, window_bounds = array<i64: 16384>}, {pipeline_mode = #tpu.pipeline_mode<synchronous>, transform_indices = @transform_8, window_bounds = array<i64: 128>}]} {
    %lt3A = arith.constant 31 : i32
    %lt3A_0 = arith.cmpi slt, %arg0, %lt3A : i32
    %convert_element_type3A = arith.extui %lt3A_0 : i1 to i32
    %cond3A = arith.constant 0 : i32
    %cond3A_1 = arith.cmpi ne, %convert_element_type3A, %cond3A : i32
    scf.if %cond3A_1 {
      %get3A = arith.constant 0 : index
      %get3A_12 = arith.constant 0 : index
      %get3A_13 = vector.load %arg2[%get3A, %get3A_12] : memref<64x32768xf32, #tpu.memory_space<vmem>>, vector<64x32768xf32>
      %get3A_14 = arith.constant 0 : index
      %get3A_15 = arith.constant 88 : index
      %get3A_16 = vector.load %arg1[%get3A_14, %get3A_15] : memref<1x216xf32, #tpu.memory_space<vmem>>, vector<1x64xf32>
      %dot_general3A = arith.constant dense<0.000000e+00> : vector<1x32768xf32>
      %dot_general3A_17 = tpu.matmul %get3A_16, %get3A_13, %dot_general3A {dimension_numbers = #tpu.dot_dimension_numbers<[1], [0], [0], [1], [0, 0, 1, 1], [], []>, transpose_lhs_hint = false} : vector<1x64xf32>, vector<64x32768xf32>, vector<1x32768xf32> -> vector<1x32768xf32>
      %reshape3A = vector.shape_cast %dot_general3A_17 : vector<1x32768xf32> to vector<32768xf32>
      %swap3A = arith.constant 0 : index
      %swap3A_18 = vector.load %arg6[%swap3A] : memref<32768xf32, #tpu.memory_space<vmem>>, vector<32768xf32>
      tpu.vector_store %arg6[%swap3A], %reshape3A {strides = array<i32>} : memref<32768xf32, #tpu.memory_space<vmem>>, vector<32768xf32>,
    } else {
    }
    %ge3A = arith.constant 31 : i32
    %ge3A_2 = arith.cmpi sge, %arg0, %ge3A : i32
    %lt3A_3 = arith.constant 35 : i32
    %lt3A_4 = arith.cmpi slt, %arg0, %lt3A_3 : i32
    %and3A = arith.andi %ge3A_2, %lt3A_4 : i1
    %convert_element_type3A_5 = arith.extui %and3A : i1 to i32
    %cond3A_6 = arith.constant 0 : i32
    %cond3A_7 = arith.cmpi ne, %convert_element_type3A_5, %cond3A_6 : i32
    scf.if %cond3A_7 {
      %get3A = arith.constant 0 : index
      %get3A_12 = arith.constant 0 : index
      %get3A_13 = vector.load %arg3[%get3A, %get3A_12] : memref<64x32768xf32, #tpu.memory_space<vmem>>, vector<64x32768xf32>
      %get3A_14 = arith.constant 0 : index
      %get3A_15 = arith.constant 152 : index
      %get3A_16 = vector.load %arg1[%get3A_14, %get3A_15] : memref<1x216xf32, #tpu.memory_space<vmem>>, vector<1x64xf32>
      %dot_general3A = arith.constant dense<0.000000e+00> : vector<1x32768xf32>
      %dot_general3A_17 = tpu.matmul %get3A_16, %get3A_13, %dot_general3A {dimension_numbers = #tpu.dot_dimension_numbers<[1], [0], [0], [1], [0, 0, 1, 1], [], []>, transpose_lhs_hint = false} : vector<1x64xf32>, vector<64x32768xf32>, vector<1x32768xf32> -> vector<1x32768xf32>
      %reshape3A = vector.shape_cast %dot_general3A_17 : vector<1x32768xf32> to vector<32768xf32>
      %swap3A = arith.constant 0 : index
      %swap3A_18 = vector.load %arg7[%swap3A] : memref<32768xf32, #tpu.memory_space<vmem>>, vector<32768xf32>
      tpu.vector_store %arg7[%swap3A], %reshape3A {strides = array<i32>} : memref<32768xf32, #tpu.memory_space<vmem>>, vector<32768xf32>,
    } else {
    }
    %eq3A = arith.constant 35 : i32
    %eq3A_8 = arith.cmpi eq, %arg0, %eq3A : i32
    %convert_element_type3A_9 = arith.extui %eq3A_8 : i1 to i32
    %cond3A_10 = arith.constant 0 : i32
    %cond3A_11 = arith.cmpi ne, %convert_element_type3A_9, %cond3A_10 : i32
    scf.if %cond3A_11 {
      %get3A = arith.constant 0 : index
      %get3A_12 = arith.constant 0 : index
      %get3A_13 = vector.load %arg4[%get3A, %get3A_12] : memref<22x16384xf32, #tpu.memory_space<vmem>>, vector<22x16384xf32>
      %get3A_14 = arith.constant 0 : index
      %get3A_15 = arith.constant 0 : index
      %get3A_16 = vector.load %arg1[%get3A_14, %get3A_15] : memref<1x216xf32, #tpu.memory_space<vmem>>, vector<1x22xf32>
      %dot_general3A = arith.constant dense<0.000000e+00> : vector<1x16384xf32>
      %dot_general3A_17 = tpu.matmul %get3A_16, %get3A_13, %dot_general3A {dimension_numbers = #tpu.dot_dimension_numbers<[1], [0], [0], [1], [0, 0, 1, 1], [], []>, transpose_lhs_hint = false} : vector<1x22xf32>, vector<22x16384xf32>, vector<1x16384xf32> -> vector<1x16384xf32>
      %reshape3A = vector.shape_cast %dot_general3A_17 : vector<1x16384xf32> to vector<16384xf32>
      %swap3A = arith.constant 0 : index
      %swap3A_18 = vector.load %arg8[%swap3A] : memref<16384xf32, #tpu.memory_space<vmem>>, vector<16384xf32>
      tpu.vector_store %arg8[%swap3A], %reshape3A {strides = array<i32>} : memref<16384xf32, #tpu.memory_space<vmem>>, vector<16384xf32>,
      %get3A_19 = arith.constant 0 : index
      %get3A_20 = arith.constant 0 : index
      %get3A_21 = vector.load %arg5[%get3A_19, %get3A_20] : memref<64x10xf32, #tpu.memory_space<vmem>>, vector<64x10xf32>
      %get3A_22 = arith.constant 0 : index
      %get3A_23 = arith.constant 24 : index
      %get3A_24 = vector.load %arg1[%get3A_22, %get3A_23] : memref<1x216xf32, #tpu.memory_space<vmem>>, vector<1x64xf32>
      %dot_general3A_25 = arith.constant dense<0.000000e+00> : vector<1x10xf32>
      %dot_general3A_26 = tpu.matmul %get3A_24, %get3A_21, %dot_general3A_25 {dimension_numbers = #tpu.dot_dimension_numbers<[1], [0], [0], [1], [0, 0, 1, 1], [], []>, transpose_lhs_hint = false} : vector<1x64xf32>, vector<64x10xf32>, vector<1x10xf32> -> vector<1x10xf32>
      %reshape3A_27 = vector.shape_cast %dot_general3A_26 : vector<1x10xf32> to vector<10xf32>
      %jit3A = arith.constant 0 : i32
      %convert_element_type3A_28 = arith.sitofp %jit3A : i32 to f32
      %pad3A = vector.broadcast %convert_element_type3A_28 : f32 to vector<118xf32>
      %pad3A_29 = tpu.concatenate %reshape3A_27, %pad3A in 0 : vector<10xf32>, vector<118xf32> -> vector<128xf32>
      %swap3A_30 = arith.constant 0 : index
      %swap3A_31 = vector.load %arg9[%swap3A_30] : memref<128xf32, #tpu.memory_space<vmem>>, vector<128xf32>
      tpu.vector_store %arg9[%swap3A_30], %pad3A_29 {strides = array<i32>} : memref<128xf32, #tpu.memory_space<vmem>>, vector<128xf32>,
    } else {
    }
    return
  }
  func.func @transform_0(%arg0: i32) -> (i32, i32) {
    %c0_i32 = arith.constant 0 : i32
    %c0_i32_0 = arith.constant 0 : i32
    %c0_i32_1 = arith.constant 0 : i32
    return %c0_i32, %c0_i32_0 : i32, i32
  }
  func.func @transform_1(%arg0: i32) -> (i32, i32) {
    %min3A = arith.constant 30 : i32
    %min3A_0 = arith.minsi %arg0, %min3A : i32
    %c0_i32 = arith.constant 0 : i32
    %c0_i32_1 = arith.constant 0 : i32
    return %c0_i32, %min3A_0 : i32, i32
  }
  func.func @transform_2(%arg0: i32) -> (i32, i32) {
    %sub3A = arith.constant 31 : i32
    %sub3A_0 = arith.subi %arg0, %sub3A : i32
    %jit3A = arith.constant 0 : i32
    %jit3A_1 = arith.constant 3 : i32
    %max3A = arith.maxsi %jit3A, %sub3A_0 : i32
    %min3A = arith.minsi %jit3A_1, %max3A : i32
    %c0_i32 = arith.constant 0 : i32
    %c0_i32_2 = arith.constant 0 : i32
    return %c0_i32, %min3A : i32, i32
  }
  func.func @transform_3(%arg0: i32) -> (i32, i32) {
    %c0_i32 = arith.constant 0 : i32
    %c0_i32_0 = arith.constant 0 : i32
    %c0_i32_1 = arith.constant 0 : i32
    return %c0_i32, %c0_i32_0 : i32, i32
  }
  func.func @transform_4(%arg0: i32) -> (i32, i32) {
    %c0_i32 = arith.constant 0 : i32
    %c0_i32_0 = arith.constant 0 : i32
    %c0_i32_1 = arith.constant 0 : i32
    return %c0_i32, %c0_i32_0 : i32, i32
  }
  func.func @transform_5(%arg0: i32) -> i32 {
    %min3A = arith.constant 30 : i32
    %min3A_0 = arith.minsi %arg0, %min3A : i32
    %c0_i32 = arith.constant 0 : i32
    return %min3A_0 : i32
  }
  func.func @transform_6(%arg0: i32) -> i32 {
    %sub3A = arith.constant 31 : i32
    %sub3A_0 = arith.subi %arg0, %sub3A : i32
    %jit3A = arith.constant 0 : i32
    %jit3A_1 = arith.constant 3 : i32
    %max3A = arith.maxsi %jit3A, %sub3A_0 : i32
    %min3A = arith.minsi %jit3A_1, %max3A : i32
    %c0_i32 = arith.constant 0 : i32
    return %min3A : i32
  }
  func.func @transform_7(%arg0: i32) -> i32 {
    %c0_i32 = arith.constant 0 : i32
    %c0_i32_0 = arith.constant 0 : i32
    return %c0_i32 : i32
  }
  func.func @transform_8(%arg0: i32) -> i32 {
    %c0_i32 = arith.constant 0 : i32
    %c0_i32_0 = arith.constant 0 : i32
    return %c0_i32 : i32
  }
}

</mosaic_0001>

<sc_bundles>
// kernel: kernel.4.cloned.1.call-start
scs
__scs_entry_jumppad:
0x0: {  	(pc) =	sbr.rel $0x88, $3  }
0x1: {  	(tag) =	ssettag $0x0;
	lr =	simm.s32 $0x1  }
0x2: {  	[smem:$0x3F96] =	sst lr;
	_ =	strace $0xD0000000  }
0x3: {  	_ = 	snop  }
0x4: {  	_ = 	snop  }
0x5: {  	_ = 	snop  }
0x6: {  	_ = 	snop  }
0x7: {  	_ = 	snop  }
__scs_overlays_trampoline_lowered:
0x8: {  	[smem:$0x3FA5] =	sst s0  }
0x9: {  	[smem:$0x3FA6] =	sst s1  }
0xa: {  	[smem:$0x3FA7] =	sst s2  }
0xb: {  	[smem:$0x3FA8] =	sst s3  }
0xc: {  	[smem:$0x3FA9] =	sst s4  }
0xd: {  	[smem:$0x3FAA] =	sst s5  }
0xe: {  	[smem:$0x3FAB] =	sst s6  }
0xf: {  	[smem:$0x3FAC] =	sst s7  }
0x10: {  	[smem:$0x3FAD] =	sst s8  }
0x11: {  	[smem:$0x3FAE] =	sst s9;
	s0 =	simm.s32 @!p0 $0x0  }
0x12: {  	s1 =	sld [smem:$0x3F94];
	s0 =	simm.s32 @p0 $0x1  }
0x13: {  	[smem:$0x3FAF] =	sst s0;
	s0 =	simm.s32 @!p1 $0x0  }
0x14: {  	s2 =	sld [smem:$0x3F93];
	s0 =	simm.s32 @p1 $0x1  }
0x15: {  	[smem:$0x3FB0] =	sst s0;
	s0 =	simm.s32 @!p2 $0x0  }
0x16: {  	s3 =	sld [smem:$0x3FDB];
	s0 =	simm.s32 @p2 $0x1  }
0x17: {  	s4 =	simm.s32 $0x1BF5;
	[smem:$0x3FB2] =	sst s0  }
0x18: {  	s0 =	sld [smem:$0x3F95];
	_ =	swait.ge [sflag:s4], $0x0  }
0x19: {  	s7 =	sld [smem:$0x3F96]  }
0x1a: {  	s8 =	sadd.s32 $0xFFFFE003, lr  }
0x1b: {  	s9 =	sadd.s32 $0xFFFFFEF7, lr;
	s5 =	simm.s32 $0xFFFFFFFF;
	p2 =	slt.u32 s8, $0xFFFFF086  }
0x1c: {  	p1 =	slt.u32 s9, $0xF7A;
	s5 =	simm.s32 @!p2 $0x0  }
0x1d: {  	s5 =	simm.s32 @p1 $0x1;
	p0 =	seq.s32 s7, s2  }
0x1e: {  	s7 =	smul.u32 @!p0 $0xF7A, s2;
	p2 =	seq.s32 @!p0 s5, $0x0  }
0x1f: {  	s9 =	smul.u32 $0xF7A, s1;
	s8 =	simm.s32 @!p0 $0x1BF5;
	p2 =	por !p2, p0  }
0x20: {  	[sflag:s8] =	ssyncset.s32 @!p0 $0xFFFFF086;
	s6 =	sadd.s32 @!p0 s3, s7;
	s7 =	simm.s32 @!p0 $0x108  }
0x21: {  	s3 =	sadd.s32 s3, s9;
	s6 =	sadd.s32 @!p0 $0x88, s6;
	s7 =	simm.s32 @p2 $0x1082  }
0x22: {  	[simem:s7], [sflag:s8] =	dma.local @!p0 [hbm:s6], $0xF7A  }
0x23: {  	s9 =	sor.u32 $0xD0000000, s2;
	s6 =	simm.s32 $0x108;
	_ =	swait.ge @!p0 [sflag:s8], $0x0  }
0x24: {  	s3 =	sadd.s32 $0x88, s3;
	s6 =	simm.s32 @!p1 $0x1082;
	[sflag:s4] =	ssyncset.s32 $0xFFFFF086  }
0x25: {  	[simem:s6], [sflag:s4] =	dma.local [hbm:s3], $0xF7A  }
0x26: {  	[smem:$0x3F96] =	sst s1;
	(tag) =	ssettag s2;
	_ =	strace s9  }
0x27: {  	s1 =	sld [smem:$0x3FA6]  }
0x28: {  	s2 =	sld [smem:$0x3FA7]  }
0x29: {  	s4 =	sld [smem:$0x3FA9]  }
0x2a: {  	p0 =	seq.s32 s5, $0x0;
	s5 =	sld [smem:$0x3FAA]  }
0x2b: {  	s6 =	sld [smem:$0x3FAB]  }
0x2c: {  	s7 =	sld [smem:$0x3FAC]  }
0x2d: {  	s3 =	simm.s32 $0x108;
	s8 =	sld [smem:$0x3FAD]  }
0x2e: {  	s3 =	simm.s32 @!p0 $0x1082;
	s9 =	sld [smem:$0x3FAE]  }
0x2f: {  	lr =	sadd.s32 s0, s3;
	s0 =	sld [smem:$0x3FA5]  }
0x30: {  	s3 =	sld [smem:$0x3FA8]  }
0x31: {  	[smem:$0x3FB1] =	sst s10  }
0x32: {  	s10 =	sld [smem:$0x3FAF];
	_ =	sdelay $0x3  }
0x33: {  	p0 =	seq.s32 s10, $0x1;
	s10 =	sld [smem:$0x3FB1];
	_ =	sdelay $0x3  }
0x34: {  	[smem:$0x3FB1] =	sst s10  }
0x35: {  	s10 =	sld [smem:$0x3FB0];
	_ =	sdelay $0x3  }
0x36: {  	p1 =	seq.s32 s10, $0x1;
	s10 =	sld [smem:$0x3FB1];
	_ =	sdelay $0x3  }
0x37: {  	[smem:$0x3FB1] =	sst s10  }
0x38: {  	s10 =	sld [smem:$0x3FB2]  }
0x39: {  	_ = 	snop;
	(pc) =	sbr.ind lr, $3  }
0x3a: {  	_ = 	snop  }
0x3b: {  	_ = 	snop  }
0x3c: {  	p2 =	seq.s32 s10, $0x1;
	s10 =	sld [smem:$0x3FB1]  }
0x3d: {  	_ =	shalt  }
0x3e: {  	_ =	shalt  }
0x3f: {  	_ =	shalt  }
0x40: {  	_ =	shalt  }
0x41: {  	_ =	shalt  }
0x42: {  	_ =	shalt  }
0x43: {  	_ =	shalt  }
0x44: {  	_ =	shalt  }
0x45: {  	_ =	shalt  }
0x46: {  	_ =	shalt  }
0x47: {  	_ =	shalt  }
0x48: {  	_ =	shalt  }
0x49: {  	_ =	shalt  }
0x4a: {  	_ =	shalt  }
0x4b: {  	_ =	shalt  }
0x4c: {  	_ =	shalt  }
0x4d: {  	_ =	shalt  }
0x4e: {  	_ =	shalt  }
0x4f: {  	_ =	shalt  }
0x50: {  	_ =	shalt  }
0x51: {  	_ =	shalt  }
0x52: {  	_ =	shalt  }
0x53: {  	_ =	shalt  }
0x54: {  	_ =	shalt  }
0x55: {  	_ =	shalt  }
0x56: {  	_ =	shalt  }
0x57: {  	_ =	shalt  }
0x58: {  	_ =	shalt  }
0x59: {  	_ =	shalt  }
0x5a: {  	_ =	shalt  }
0x5b: {  	_ =	shalt  }
0x5c: {  	_ =	shalt  }
0x5d: {  	_ =	shalt  }
0x5e: {  	_ =	shalt  }
0x5f: {  	_ =	shalt  }
0x60: {  	_ =	shalt  }
0x61: {  	_ =	shalt  }
0x62: {  	_ =	shalt  }
0x63: {  	_ =	shalt  }
0x64: {  	_ =	shalt  }
0x65: {  	_ =	shalt  }
0x66: {  	_ =	shalt  }
0x67: {  	_ =	shalt  }
0x68: {  	_ =	shalt  }
0x69: {  	_ =	shalt  }
0x6a: {  	_ =	shalt  }
0x6b: {  	_ =	shalt  }
0x6c: {  	_ =	shalt  }
0x6d: {  	_ =	shalt  }
0x6e: {  	_ =	shalt  }
0x6f: {  	_ =	shalt  }
0x70: {  	_ =	shalt  }
0x71: {  	_ =	shalt  }
0x72: {  	_ =	shalt  }
0x73: {  	_ =	shalt  }
0x74: {  	_ =	shalt  }
0x75: {  	_ =	shalt  }
0x76: {  	_ =	shalt  }
0x77: {  	_ =	shalt  }
0x78: {  	_ =	shalt  }
0x79: {  	_ =	shalt  }
0x7a: {  	_ =	shalt  }
0x7b: {  	_ =	shalt  }
0x7c: {  	_ =	shalt  }
0x7d: {  	_ =	shalt  }
0x7e: {  	_ =	shalt  }
0x7f: {  	_ =	shalt  }
0x80: {  	_ =	shalt  }
0x81: {  	_ =	shalt  }
0x82: {  	_ =	shalt  }
0x83: {  	_ =	shalt  }
0x84: {  	_ =	shalt  }
0x85: {  	_ =	shalt  }
0x86: {  	_ =	shalt  }
0x87: {  	_ =	shalt  }
.Lfunc_end0:
.L_simem_size_0:
called_computation_lowered:
.L_overlay_start_0:
0x88: {  	s2 =	sld [smem:$0x3FD9]  }
0x89: {  	s3 =	sld [smem:$0x3FFE];
	_ =	sdelay $0x1  }
0x8a: {  	s1 =	srdreg.scid  }
0x8b: {  	s0 =	sand.u32 $0x1, s1  }
0x8c: {  	s17 =	sshll.u32 s0, $0xA;
	s2 =	sadd.s32 s3, s2  }
0x8d: {  	s2 =	sadd.s32 s2, s17  }
0x8e: {  	[smem:$0x3FBD] =	sst s2  }
0x8f: {  	_ = 	snop  }
0x90: {  	s2 =	sld [smem:$0x3FC9]  }
0x91: {  	s18 =	sld [smem:$0x3FC8]  }
0x92: {  	s4 =	sld [smem:$0x3FC7]  }
0x93: {  	s5 =	sld [smem:$0x3FC5]  }
0x94: {  	s6 =	sld [smem:$0x3FC4]  }
0x95: {  	s7 =	sld [smem:$0x3FD0];
	(tm) =	ssettm $0x1  }
0x96: {  	s8 =	sld [smem:$0x3FFB];
	_ =	sdelay $0x3  }
0x97: {  	_ =	strace s8  }
0x98: {  	s8 =	sld [smem:$0x3FFC];
	_ =	sdelay $0x3  }
0x99: {  	_ =	strace s8  }
0x9a: {  	s8 =	sld [smem:$0x3FFD];
	_ =	sdelay $0x3  }
0x9b: {  	_ =	strace s8  }
0x9c: {  	_ =	strace $0x8FFFFFFF  }
0x9d: {  	s19 =	sld [smem:$0x3FDB];
	_ =	sdelay $0x1  }
0x9e: {  	s9 =	simm.s32 $_scs_section_size  }
0x9f: {  	s10 =	simm.s32 $_size__tile_overlayer_lowered;
	s11 =	simm.s32 $_tile_overlayer_lowered  }
0xa0: {  	s22 =	simm.s32 $0x1BFF;
	s21 =	sshll.u32 s11, $0x1;
	s8 =	sadd.s32 s9, s19  }
0xa1: {  	s12 =	simm.s32 $0x0;
	s20 =	sshll.u32 s10, $0x1;
	s10 =	sadd.s32 s21, s8  }
0xa2: {  	[timem:s12], [sflag:s22] =	dma.local [hbm:s10], s20  }
0xa3: {  	_ =	swait.ge [sflag:s22], s20  }
0xa4: {  	s9 =	ssub.s32 $0x0, s20;
	[sflag:s22] =	ssyncset.done $0x0  }
0xa5: {  	[sflag:s22] =	ssyncadd.s32 s9;
	_ =	sdelay $0x1  }
0xa6: {  	s23 =	simm.s32 $0x1B8B  }
0xa7: {  	_ =	swait.ge [sflag:s23], $0x1  }
0xa8: {  	[sflag:s23] =	ssyncset.done $0x0  }
0xa9: {  	s25 =	simm.s32 $0x1B8E;
	s24 =	sld [smem:$0x3FFE];
	[sflag:s23] =	ssyncadd.s32 $0xFFFFFFFF  }
0xaa: {  	s26 =	simm.s32 $execute0_lowered;
	[smem:$0x3FD2] =	sst s25  }
0xab: {  	s10 =	sshll.u32 s26, $0x1;
	_ =	strace $0x80000046;
	[dreg:$0x1] =	wrdreg $0xFFFFFFFF  }
0xac: {  	s28 =	simm.s32 $_size_execute0_lowered;
	s8 =	sadd.s32 s8, s10;
	[dreg:$0x0] =	wrdreg $0x0  }
0xad: {  	s10 =	sshll.u32 s28, $0x1;
	[dreg:$0x2] =	wrdreg s8  }
0xae: {  	[dreg:$0x3] =	wrdreg s10  }
0xaf: {  	[dreg:$0x4] =	wrdreg $0xC0  }
0xb0: {  	_ =	task [dreg:s12], $0x5FFFF  }
0xb1: {  	[dreg:$0x1] =	wrdreg $0xFFFFFFFF  }
0xb2: {  	[dreg:$0x0] =	wrdreg $0x60  }
0xb3: {  	[dreg:$0x2] =	wrdreg s2  }
0xb4: {  	[dreg:$0x3] =	wrdreg s4  }
0xb5: {  	[dreg:$0x4] =	wrdreg s18  }
0xb6: {  	[dreg:$0x5] =	wrdreg s24  }
0xb7: {  	[dreg:$0x6] =	wrdreg s5  }
0xb8: {  	[dreg:$0x7] =	wrdreg s6  }
0xb9: {  	[dreg:$0x8] =	wrdreg s7  }
0xba: {  	[dreg:$0x9] =	wrdreg $0x9  }
0xbb: {  	_ =	task.clear_ibuf [dreg:s12], $0xAFFFF;
	_ =	strace $0x90000046  }
0xbc: {  	s29 =	simm.s32 $0x9;
	_ =	strace $0x80000048  }
0xbd: {  	_ =	swait.ge [sflag:s29], $0x1  }
0xbe: {  	[sflag:s29] =	ssyncadd.s32 $0xFFFFFFFF  }
0xbf: {  	_ =	strace $0x90000048  }
0xc0: {  	_ =	sfence  }
0xc1: {  	s30 =	sld [smem:$0x0];
	_ =	sdelay $0x2  }
0xc2: {  	s31 =	sshll.u32 s1, $0xD;
	s1 =	sshrl.u32 s1, $0x2  }
0xc3: {  	s3 =	sand.u32 $0x4000, s31;
	s1 =	sadd.s32 s1, s30  }
0xc4: {  	s0 =	sor.u32 s3, s0;
	s1 =	sshll.u32 s1, $0x11  }
0xc5: {  	s0 =	sor.u32 s1, s0  }
0xc6: {  	s0 =	sadd.s32 $0x8F2B, s0  }
0xc7: {  	[sflag:s0] =	ssyncadd.remote.s32 $0x1  }
0xc8: {  	_ =	sfence.sel $0xFFFF  }
0xc9: {  	[dreg:$0x0] =	wrdreg $0xFFFFFFFF;
	(pc) =	sbr.abs _section_cstart, $3  }
0xca: {  	[dreg:$0x1] =	wrdreg $0xFFFFFFFF  }
0xcb: {  	_ =	task.clear_ibuf [dreg:s12], $0x2FFFF;
	_ =	strace $0x9FFFFFFF  }
0xcc: {  	(tm) =	ssettm $0x7FFFFFFF  }
0xcd: {  	_ =	shalt  }
tec
execute0_lowered:
.L_overlay_start_1:
0x0: {  	(tag) =	ssettag $0x1  }
0x1: {  	s0 =	rddreg [dreg:$0x0]  }
0x2: {  	s1 =	rddreg [dreg:$0x1]  }
0x3: {  	s9 =	rddreg [dreg:$0x2]  }
0x4: {  	s6 =	rddreg [dreg:$0x3]  }
0x5: {  	s11 =	rddreg [dreg:$0x4]  }
0x6: {  	s12 =	rddreg [dreg:$0x5]  }
0x7: {  	s13 =	rddreg [dreg:$0x6];
	s2 =	simm.s32 $0x0  }
0x8: {  	s3 =	srdreg.scid;
	s5 =	stileid.u32;
	s16 =	simm.s32 $0x200  }
0x9: {  	s17 =	simm.s32 $0x80;
	s29 =	simm.s32 $0x780;
	s30 =	simm.s32 $0x380  }
0xa: {  	s31 =	simm.s32 $0x980;
	s18 =	simm.s32 $0x1080;
	s19 =	simm.s32 $0xA80  }
0xb: {  	s20 =	simm.s32 $0xC80;
	s21 =	simm.s32 $0xE80;
	s22 =	simm.s32 $0x1  }
0xc: {  	s23 =	simm.s32 $0x1180;
	s24 =	simm.s32 $0x0;
	[smem:$0x7FF] =	sst s2  }
0xd: {  	s4 =	sand.u32 $0x1, s3;
	s5 =	sshll.u32 s5, $0x7;
	s3 =	sadd.s32 $0x1400, s6  }
0xe: {  	_ =	strace $0x80000047;
	s7 =	sshll.u32 s4, $0x6;
	s28 =	ssub.s32 $0x2, s4  }
0xf: {  	s4 =	sadd.s32 $0x20400, s6;
	s14 =	sor.u32 s7, s5;
	s8 =	sshrl.u32 s28, $0x1  }
0x10: {  	s5 =	sadd.s32 $0x24C00, s6;
	s10 =	sadd.s32 s14, s6;
	s6 =	sadd.s32 $0x1200, s6  }
0x11: {  	s15 =	ssub.s32 s28, s8;
	s7 =	sadd.s32 s0, s14;
	s8 =	sadd.s32 s1, s14  }
0x12: {  	s9 =	sadd.s32 s9, s14;
	s11 =	sadd.s32 s11, s14;
	s12 =	sadd.s32 s12, s14  }
0x13: {  	s13 =	sadd.s32 s13, s14;
	s0 =	simm.s32 $0x400;
	s1 =	simm.s32 $0xA00  }
0x14: {  	s10 =	sadd.s32 $0x24400, s10;
	s14 =	smax.u32 s15, $0x1;
	s15 =	simm.s32 $0x2  }
.LBB2_1:
0x15: {  	[tilespmem:s2], [sflag:$0x2] =	stream.linear.gather [hbm4b:s7+s2], $0x200, $0x38;
	[tilespmem:$0x1380] =	vst v63  }
0x16: {  	_ =	swait.ge [sflag:s15], $0x200  }
0x17: {  	[sflag:s15] =	ssyncset.done $0x0  }
0x18: {  	[sflag:s15] =	ssyncadd.s32 $0xFFFFFE00  }
0x19: {  	[tilespmem:s16], [sflag:$0x2] =	stream.linear.gather [hbm4b:s8+s2], $0x200, $0x38;
	[tilespmem:$0x1380] =	vst v63  }
0x1a: {  	_ =	swait.ge [sflag:s15], $0x200  }
0x1b: {  	[sflag:s15] =	ssyncset.done $0x0  }
0x1c: {  	s25 =	simm.s32 $0x600;
	[sflag:s15] =	ssyncadd.s32 $0xFFFFFE00  }
0x1d: {  	[tilespmem:s25], [sflag:$0x1] =	stream.indirect.gather [hbm4b:s3+s17], $0x1, s2, s17, $0xb8;
	[tilespmem:$0x1380] =	vst v63  }
0x1e: {  	s26 =	simm.s32 $0x800  }
0x1f: {  	[tilespmem:s26], [sflag:$0x1] =	stream.indirect.gather [hbm4b:s4+s17], $0x1, s16, s17, $0xb8;
	[tilespmem:$0x1380] =	vst v63  }
0x20: {  	s26 =	simm.s32 $0x680  }
0x21: {  	[tilespmem:s26], [sflag:$0x1] =	stream.indirect.gather [hbm4b:s3+s17], $0x1, s17, s17, $0xb8;
	[tilespmem:$0x1380] =	vst v63  }
0x22: {  	s25 =	simm.s32 $0x280;
	s26 =	simm.s32 $0x880  }
0x23: {  	[tilespmem:s26], [sflag:$0x1] =	stream.indirect.gather [hbm4b:s4+s17], $0x1, s25, s17, $0xb8;
	[tilespmem:$0x1380] =	vst v63  }
0x24: {  	s25 =	simm.s32 $0x100;
	s26 =	simm.s32 $0x700  }
0x25: {  	[tilespmem:s26], [sflag:$0x1] =	stream.indirect.gather [hbm4b:s3+s17], $0x1, s25, s17, $0xb8;
	[tilespmem:$0x1380] =	vst v63  }
0x26: {  	s25 =	simm.s32 $0x300;
	s26 =	simm.s32 $0x900  }
0x27: {  	[tilespmem:s26], [sflag:$0x1] =	stream.indirect.gather [hbm4b:s4+s17], $0x1, s25, s17, $0xb8;
	[tilespmem:$0x1380] =	vst v63  }
0x28: {  	s26 =	simm.s32 $0x180  }
0x29: {  	[tilespmem:s29], [sflag:$0x1] =	stream.indirect.gather [hbm4b:s3+s17], $0x1, s26, s17, $0xb8;
	[tilespmem:$0x1380] =	vst v63  }
0x2a: {  	_ = 	snop  }
0x2b: {  	[tilespmem:s31], [sflag:$0x1] =	stream.indirect.gather [hbm4b:s4+s17], $0x1, s30, s17, $0xb8;
	[tilespmem:$0x1380] =	vst v63  }
0x2c: {  	_ = 	snop  }
0x2d: {  	[tilespmem:s0], [sflag:$0x2] =	stream.linear.gather [hbm4b:s9+s2], $0x200, $0x38;
	[tilespmem:$0x1380] =	vst v63  }
0x2e: {  	_ =	swait.ge [sflag:s15], $0x200  }
0x2f: {  	[sflag:s15] =	ssyncset.done $0x0  }
0x30: {  	[sflag:s15] =	ssyncadd.s32 $0xFFFFFE00  }
0x31: {  	[tilespmem:s1], [sflag:$0x2] =	stream.linear.gather [hbm4b:s5+s2], $0x10, $0x38;
	[tilespmem:$0x1380] =	vst v63  }
0x32: {  	_ =	swait.ge [sflag:s15], $0x10  }
0x33: {  	[sflag:s15] =	ssyncset.done $0x0  }
0x34: {  	[sflag:s15] =	ssyncadd.s32 $0xFFFFFFF0  }
0x35: {  	[tilespmem:s18], [sflag:$0x2] =	stream.linear.gather [hbm4b:s6+s2], $0x100, $0x38;
	[tilespmem:$0x1380] =	vst v63  }
0x36: {  	_ =	swait.ge [sflag:s15], $0x100  }
0x37: {  	[sflag:s15] =	ssyncset.done $0x0  }
0x38: {  	[sflag:s15] =	ssyncadd.s32 $0xFFFFFF00  }
0x39: {  	[tilespmem:s19], [sflag:$0x2] =	stream.linear.gather [hbm4b:s10+s2], $0x200, $0x38;
	[tilespmem:$0x1380] =	vst v63  }
0x3a: {  	_ =	swait.ge [sflag:s15], $0x200  }
0x3b: {  	[sflag:s15] =	ssyncset.done $0x0  }
0x3c: {  	[sflag:s15] =	ssyncadd.s32 $0xFFFFFE00  }
0x3d: {  	[tilespmem:s20], [sflag:$0x2] =	stream.linear.gather [hbm4b:s11+s2], $0x200, $0x38;
	[tilespmem:$0x1380] =	vst v63  }
0x3e: {  	_ =	swait.ge [sflag:s15], $0x200  }
0x3f: {  	[sflag:s15] =	ssyncset.done $0x0  }
0x40: {  	[sflag:s15] =	ssyncadd.s32 $0xFFFFFE00  }
0x41: {  	[tilespmem:s21], [sflag:$0x2] =	stream.linear.gather [hbm4b:s12+s2], $0x200, $0x38;
	[tilespmem:$0x1380] =	vst v63  }
0x42: {  	_ =	swait.ge [sflag:s15], $0x200  }
0x43: {  	[sflag:s15] =	ssyncset.done $0x0  }
0x44: {  	[sflag:s15] =	ssyncadd.s32 $0xFFFFFE00  }
0x45: {  	v2 =	vld [tilespmem:$0x1090]  }
0x46: {  	v0 =	vld [tilespmem:$0x1150];
	_ =	swait.ge [sflag:s22], $0x80  }
0x47: {  	[sflag:s22] =	ssyncset.done $0x0  }
0x48: {  	[sflag:s22] =	ssyncadd.s32 $0xFFFFFF80  }
0x49: {  	_ =	swait.ge [sflag:s22], $0x80  }
0x4a: {  	[sflag:s22] =	ssyncset.done $0x0  }
0x4b: {  	[sflag:s22] =	ssyncadd.s32 $0xFFFFFF80  }
0x4c: {  	_ =	swait.ge [sflag:s22], $0x80  }
0x4d: {  	[sflag:s22] =	ssyncset.done $0x0  }
0x4e: {  	[sflag:s22] =	ssyncadd.s32 $0xFFFFFF80  }
0x4f: {  	_ =	swait.ge [sflag:s22], $0x80  }
0x50: {  	[sflag:s22] =	ssyncset.done $0x0  }
0x51: {  	[sflag:s22] =	ssyncadd.s32 $0xFFFFFF80  }
0x52: {  	_ =	swait.ge [sflag:s22], $0x80  }
0x53: {  	[sflag:s22] =	ssyncset.done $0x0  }
0x54: {  	[sflag:s22] =	ssyncadd.s32 $0xFFFFFF80  }
0x55: {  	_ =	swait.ge [sflag:s22], $0x80  }
0x56: {  	[sflag:s22] =	ssyncset.done $0x0  }
0x57: {  	[sflag:s22] =	ssyncadd.s32 $0xFFFFFF80  }
0x58: {  	_ =	swait.ge [sflag:s22], $0x80  }
0x59: {  	[sflag:s22] =	ssyncset.done $0x0  }
0x5a: {  	[sflag:s22] =	ssyncadd.s32 $0xFFFFFF80  }
0x5b: {  	_ =	swait.ge [sflag:s22], $0x80  }
0x5c: {  	[sflag:s22] =	ssyncset.done $0x0  }
0x5d: {  	s25 =	simm.s32 $0x0;
	[sflag:s22] =	ssyncadd.s32 $0xFFFFFF80  }
0x5e: {  	v1 =	vld [tilespmem:s25+$0x400];
	_ =	sdelay $0x3  }
0x5f: {  	v3 =	vld [tilespmem:s25+$0x600];
	_ =	sdelay $0x1  }
0x60: {  	v4 =	vld [tilespmem:s25+$0x800]  }
0x61: {  	v0 =	vbroadcast v0, $0x8  }
0x62: {  	v5 =	vld.idx.msk [tilespmem:v1+s1+$0x0], $0xffff  }
0x63: {  	v6 =	vld [tilespmem:s25+$0xC80];
	v1 =	vadd.f32 v3, v0  }
0x64: {  	v3 =	vld [tilespmem:s25+$0xA80]  }
0x65: {  	v4 =	vadd.f32 v4, v1  }
0x66: {  	v7 =	vld [tilespmem:s25+$0xE80]  }
0x67: {  	v1 =	vbroadcast v2, $0x6;
	v4 =	vadd.f32 v4, v5;
	_ =	sdelay $0x1  }
0x68: {  	v2 =	vbroadcast v2, $0x7;
	v62 =	vmul.f32 v6, v1;
	v3 =	vadd.f32 v4, v3;
	_ =	sdelay $0x1  }
0x69: {  	v63 =	vmul.f32 v7, v2;
	v3 =	vadd.f32 v62, v3;
	_ =	sdelay $0x1  }
0x6a: {  	v3 =	vadd.f32 v63, v3;
	_ =	sdelay $0x1  }
0x6b: {  	v3 =	vsub.f32 $0.0e+00, v3;
	_ =	sdelay $0x1  }
0x6c: {  	v3 =	vmul.f32 $1.442695020e+00, v3;
	_ =	sdelay $0x1  }
0x6d: {  	(erf) = vpow2.f32 v3;
	_ =	sdelay $0x8  }
0x6e: {  	v3 =	vpop (erf)  }
0x6f: {  	v3 =	vadd.f32 $1.000000000e+00, v3;
	_ =	sdelay $0x1  }
0x70: {  	(erf) = vrcp.f32 v3;
	_ =	sdelay $0x1  }
0x71: {  	s28 =	simm.s32 $0x10;
	s26 =	simm.s32 $0x80  }
.LBB2_2:
0x72: {  	p0 =	sne.s32 s26, $0x7C0;
	v3 =	vld [tilespmem:s28+$0x400];
	_ =	sdelay $0x4  }
0x73: {  	v4 =	vld [tilespmem:s28+$0x600]  }
0x74: {  	v5 =	vpop (erf)  }
0x75: {  	v6 =	vld [tilespmem:s28+$0x800];
	[tilespmem:s25+$0x1180] =	vst v5;
	s25 =	smov.u32 s28  }
0x76: {  	v3 =	vld.idx.msk [tilespmem:v3+s1+$0x0], $0xffff;
	_ =	sdelay $0x1  }
0x77: {  	v4 =	vadd.f32 v4, v0;
	v5 =	vld [tilespmem:s25+$0xA80]  }
0x78: {  	v7 =	vld [tilespmem:s25+$0xC80]  }
0x79: {  	v4 =	vadd.f32 v6, v4  }
0x7a: {  	v6 =	vld [tilespmem:s25+$0xE80]  }
0x7b: {  	v3 =	vadd.f32 v4, v3;
	_ =	sdelay $0x1  }
0x7c: {  	v3 =	vadd.f32 v3, v5;
	v4 =	vmul.f32 v7, v1;
	_ =	sdelay $0x1  }
0x7d: {  	v3 =	vadd.f32 v4, v3;
	v4 =	vmul.f32 v6, v2;
	_ =	sdelay $0x1  }
0x7e: {  	v3 =	vadd.f32 v4, v3;
	_ =	sdelay $0x1  }
0x7f: {  	v3 =	vsub.f32 $0.0e+00, v3;
	_ =	sdelay $0x1  }
0x80: {  	v3 =	vmul.f32 $1.442695020e+00, v3;
	_ =	sdelay $0x1  }
0x81: {  	(erf) = vpow2.f32 v3;
	_ =	sdelay $0x8  }
0x82: {  	v3 =	vpop (erf)  }
.Ltmp0:
0x83: {  	v3 =	vadd.f32 $1.000000000e+00, v3;
	(pc) =	sbr.rel @p0 .LBB2_2-.Ltmp0, $3  }
0x84: {  	_ = 	snop  }
0x85: {  	(erf) = vrcp.f32 v3;
	_ =	sdelay $0x1  }
0x86: {  	s28 =	sshra.s32 s26, $0x2;
	s26 =	sadd.s32 $0x40, s26  }
0x87: {  	v3 =	vld [tilespmem:s28+$0x400];
	_ =	sdelay $0x3  }
0x88: {  	v4 =	vld [tilespmem:s28+$0x600];
	_ =	sdelay $0x1  }
0x89: {  	v6 =	vld [tilespmem:s28+$0x800];
	v5 =	vpop (erf)  }
0x8a: {  	[tilespmem:s25+$0x1180] =	vst v5  }
0x8b: {  	v3 =	vld.idx.msk [tilespmem:v3+s1+$0x0], $0xffff  }
0x8c: {  	v0 =	vadd.f32 v4, v0;
	v61 =	vld [tilespmem:s28+$0xA80]  }
0x8d: {  	v5 =	vld [tilespmem:s28+$0xC80]  }
0x8e: {  	v0 =	vadd.f32 v6, v0  }
0x8f: {  	v62 =	vld [tilespmem:s28+$0xE80]  }
0x90: {  	v0 =	vadd.f32 v0, v3;
	_ =	sdelay $0x1  }
0x91: {  	v1 =	vmul.f32 v5, v1;
	v0 =	vadd.f32 v0, v61;
	_ =	sdelay $0x1  }
0x92: {  	v63 =	vmul.f32 v62, v2;
	v0 =	vadd.f32 v1, v0;
	_ =	sdelay $0x1  }
0x93: {  	v0 =	vadd.f32 v63, v0;
	_ =	sdelay $0x1  }
0x94: {  	v0 =	vsub.f32 $0.0e+00, v0;
	_ =	sdelay $0x1  }
0x95: {  	v0 =	vmul.f32 $1.442695020e+00, v0;
	_ =	sdelay $0x1  }
0x96: {  	(erf) = vpow2.f32 v0;
	_ =	sdelay $0x8  }
0x97: {  	v0 =	vpop (erf)  }
0x98: {  	v0 =	vadd.f32 $1.000000000e+00, v0;
	_ =	sdelay $0x1  }
0x99: {  	(erf) = vrcp.f32 v0;
	_ =	sdelay $0x7  }
0x9a: {  	s24 =	sadd.s32 $0x1, s24  }
0x9b: {  	p0 =	sne.s32 s24, s14;
	v0 =	vpop (erf)  }
.Ltmp1:
0x9c: {  	[tilespmem:s28+$0x1180] =	vst v0;
	(pc) =	sbr.rel @p0 .LBB2_1-.Ltmp1, $4  }
0x9d: {  	[hbm4b:s13+s2] =	stream.linear.scatter [tilespmem:s23], [sflag:$0x2], $0x200, $0x38;
	[tilespmem:$0x1380] =	vst v63  }
0x9e: {  	_ =	swait.ge [sflag:s15], $0x200  }
0x9f: {  	[sflag:s15] =	ssyncset.done $0x0  }
0xa0: {  	[sflag:s15] =	ssyncadd.s32 $0xFFFFFE00  }
0xa1: {  	_ =	sfence.sel $0x180000  }
0xa2: {  	[bflag:$0x0] =	sbarrier.arrive $0xFFFF  }
0xa3: {  	_ =	strace $0x90000047  }
0xa4: {  	s0 =	stileid.u32;
	[bflag:$0x2] =	sbarrier.arrive $0xFFFF  }
0xa5: {  	p0 =	sne.s32 s0, $0x0;
	s0 =	rddreg [dreg:$0x7]  }
0xa6: {  	s0 =	sadd.s32 @!p0 $0x100000, s0  }
0xa7: {  	[sflag:s0] =	ssyncadd.tile.s32 @!p0 $0x1;
	_ =	shalt  }
.Lfunc_end2:
_tile_overlayer_lowered:
.L_overlay_start_2:
0xa8: {  	(tag) =	ssettag $0x2  }
0xa9: {  	s0 =	rddreg [dreg:$0x0];
	s2 =	stileid.u32  }
0xaa: {  	s1 =	rddreg [dreg:$0x1];
	p0 =	sne.s32 s2, $0x0  }
0xab: {  	s3 =	rddreg [dreg:$0x2];
	[bflag:$0x3] =	sbarrier.arrive $0xFFFF;
	s2 =	simm.s32 @!p0 $0x1C02  }
0xac: {  	[timem:s3], [sflag:s2] =	dma.local @!p0 [hbm:s0], s1  }
0xad: {  	s0 =	simm.s32 @!p0 $0x2  }
0xae: {  	_ =	swait.ge @!p0 [sflag:s0], s1  }
0xaf: {  	s1 =	ssub.s32 @!p0 $0x0, s1;
	[sflag:s0] =	ssyncset.done @!p0 $0x0  }
0xb0: {  	[sflag:s0] =	ssyncadd.s32 @!p0 s1  }
0xb1: {  	[bflag:$0x3] =	sbarrier.arrive $0xFFFF  }
0xb2: {  	_ =	shalt  }

</sc_bundles>
